<compile_context>
chip_gen: v7x
topology: tpu7x:2x2x1
jax: 0.10.2.dev20260603
libtpu: 0.0.44.dev20260713+nightly
codegen_flags: <defaults>
</compile_context>

<pallas_src>
import functools

import jax
import jax.numpy as jnp
from jax import lax
from jax.experimental import pallas as pl
from jax.experimental.pallas import tpu as pltpu
from jax.experimental.pallas import tpu_sc as plsc

NC = 2
NS = 16
NW = NC * NS

B = 100000
D = 128
PER_W = 3128
CHUNK = 192
FULL_CHUNKS = PER_W // CHUNK
TAIL = PER_W - FULL_CHUNKS * CHUNK
LAST_BASE = B - PER_W
RING = 4
DEPTH = 3


def _gather_body(idx_hbm, table_hbm, out_hbm, idx_v, rows_v, tail_v, gsem, wsem, tsem):
    wid = lax.axis_index("s") * NC + lax.axis_index("c")
    base = pl.multiple_of(jnp.minimum(wid * PER_W, LAST_BASE), 8)
    pltpu.sync_copy(idx_hbm.at[pl.ds(base, PER_W)], idx_v)
    tail = pltpu.async_copy(
        table_hbm.at[idx_v.at[pl.ds(FULL_CHUNKS * CHUNK, TAIL)]], tail_v, tsem)

    def start_gather(c):
        return pltpu.async_copy(
            table_hbm.at[idx_v.at[pl.ds(c * CHUNK, CHUNK)]],
            rows_v.at[c % RING], gsem.at[c % RING])

    gathers = {c: start_gather(c) for c in range(DEPTH)}
    writes = {}
    for j in range(FULL_CHUNKS):
        b = j % RING
        gathers[j].wait()
        writes[j] = pltpu.async_copy(
            rows_v.at[b], out_hbm.at[pl.ds(base + j * CHUNK, CHUNK)], wsem.at[b])
        c = j + DEPTH
        if c < FULL_CHUNKS:
            pw = c - RING
            if pw >= 0:
                writes[pw].wait()
            gathers[c] = start_gather(c)
    for j in range(FULL_CHUNKS - RING, FULL_CHUNKS):
        writes[j].wait()
    tail.wait()
    pltpu.sync_copy(tail_v, out_hbm.at[pl.ds(base + FULL_CHUNKS * CHUNK, TAIL)])


@jax.jit
def _gather(idx, table):
    mesh = plsc.VectorSubcoreMesh(core_axis_name="c", subcore_axis_name="s")
    run = functools.partial(
        pl.kernel,
        mesh=mesh,
        out_type=jax.ShapeDtypeStruct((B, D), jnp.float32),
        scratch_types=[
            pltpu.VMEM((PER_W,), jnp.int32),
            pltpu.VMEM((RING, CHUNK, D), jnp.float32),
            pltpu.VMEM((TAIL, D), jnp.float32),
            pltpu.SemaphoreType.DMA((RING,)),
            pltpu.SemaphoreType.DMA((RING,)),
            pltpu.SemaphoreType.DMA,
        ],
    )(_gather_body)
    return run(idx, table)


def kernel(f_nodes, f_edges, node2edge, edge2node, b2revb, edit_embedding):
    return _gather(f_nodes.astype(jnp.int32), edit_embedding)

# --- scband reference (transcript-rebuilt; emitter-appended) ---
"""Pipeline reference for scband-random-init-38311108280992 (READ-ONLY COPY).

The authoritative reference and input builder live on the scoring server;
editing this copy changes nothing except your own understanding.
"""

import jax, jax.numpy as jnp
import numpy as np

VOCAB = 100000
NODE_F_DIM = 128
N_NODES = 100000
N_EDGES = 1600000
EDGE_F_DIM = 16


def setup_inputs(seed: int = 0) -> dict:
    key = jax.random.key(seed)
    k1, k2, k3, k4, k5, k6 = jax.random.split(key, 6)
    f_nodes = jax.random.randint(k1, (N_NODES,), 0, VOCAB, dtype=jnp.int64 if jax.config.jax_enable_x64 else jnp.int32)
    f_edges = jax.random.normal(k2, (N_EDGES, EDGE_F_DIM), dtype=jnp.float32)
    node2edge = jax.random.randint(k3, (N_EDGES,), 0, N_EDGES)
    edge2node = jax.random.randint(k4, (N_EDGES,), 0, N_NODES)
    b2revb = jax.random.randint(k5, (N_EDGES,), 0, N_EDGES)
    # nn.Embedding default init: N(0, 1)
    edit_embedding = jax.random.normal(k6, (VOCAB, NODE_F_DIM), dtype=jnp.float32)
    return {
        "f_nodes": f_nodes,
        "f_edges": f_edges,
        "node2edge": node2edge,
        "edge2node": edge2node,
        "b2revb": b2revb,
        "edit_embedding": edit_embedding,
    }


def reference(f_nodes, f_edges, node2edge, edge2node, b2revb, edit_embedding):
    # forward: only f_nodes is used -> embedding lookup, then flatten per-row
    a_message = jnp.take(edit_embedding, f_nodes, axis=0)
    return a_message.reshape(a_message.shape[0], -1)

if __name__ == "__main__":
    import jax
    _d = setup_inputs()
    print(jax.jit(kernel)(*tuple(_d.values())))

</pallas_src>

<mosaic_0001>
#map = affine_map<(d0, d1) -> (0)>
#map1 = affine_map<(d0, d1) -> (0, 0)>
module attributes {stable_mosaic.version = 14 : i64} {
  func.func @_gather_body(%arg0: i32, %arg1: i32, %arg2: memref<100000xi32, #tpu.memory_space<hbm>>, %arg3: memref<100000x128xf32, #tpu.memory_space<hbm>>, %arg4: memref<100000x128xf32, #tpu.memory_space<hbm>>, %arg5: memref<3128xi32, #tpu.memory_space<vmem>>, %arg6: memref<4x192x128xf32, #tpu.memory_space<vmem>>, %arg7: memref<56x128xf32, #tpu.memory_space<vmem>>, %arg8: memref<4x!tpu.dma_semaphore, #tpu.memory_space<semaphore_mem>>, %arg9: memref<4x!tpu.dma_semaphore, #tpu.memory_space<semaphore_mem>>, %arg10: memref<!tpu.dma_semaphore, #tpu.memory_space<semaphore_mem>>) attributes {dimension_semantics = [#tpu.dimension_semantics<core_parallel>, #tpu.dimension_semantics<subcore_parallel>], iteration_bounds = array<i64: 2, 16>, scalar_prefetch = 0 : i64, scratch_operands = 6 : i64, tpu.core_type = #tpu.core_type<sc_vector_subcore>, window_params = [{transform_indices = #map}, {transform_indices = #map1}, {transform_indices = #map1}]} {
    %mul3A = arith.constant 2 : i32
    %mul3A_0 = arith.muli %arg1, %mul3A : i32
    %add3A = arith.addi %mul3A_0, %arg0 : i32
    %mul3A_1 = arith.constant 3128 : i32
    %mul3A_2 = arith.muli %add3A, %mul3A_1 : i32
    %min3A = arith.constant 96872 : i32
    %min3A_3 = arith.minsi %mul3A_2, %min3A : i32
    %multiple_of3A = tpu.assume_multiple %min3A_3, 8 : i32
    "tpu.region"() ({
      %run_scoped3A = tpu.sem_alloc : memref<!tpu.dma_semaphore, #tpu.memory_space<semaphore_mem>>
      %dma_start3A_974 = tpu.memref_slice %arg2[%multiple_of3A] : memref<100000xi32, #tpu.memory_space<hbm>> -> memref<3128xi32, #tpu.memory_space<hbm>>
      %dma_start3A_975 = tpu.memref_slice %arg2[%multiple_of3A] : memref<100000xi32, #tpu.memory_space<hbm>> -> memref<3128xi32, #tpu.memory_space<hbm>>
      tpu.enqueue_dma source(%dma_start3A_975 : memref<3128xi32, #tpu.memory_space<hbm>>) target(%arg5 : memref<3128xi32, #tpu.memory_space<vmem>>) target_semaphore(%run_scoped3A : memref<!tpu.dma_semaphore, #tpu.memory_space<semaphore_mem>>)
      %dma_wait3A_976 = tpu.memref_slice %arg2[%multiple_of3A] : memref<100000xi32, #tpu.memory_space<hbm>> -> memref<3128xi32, #tpu.memory_space<hbm>>
      %dma_wait3A_977 = tpu.memref_slice %arg2[%multiple_of3A] : memref<100000xi32, #tpu.memory_space<hbm>> -> memref<3128xi32, #tpu.memory_space<hbm>>
      tpu.wait_dma2 semaphore(%run_scoped3A : memref<!tpu.dma_semaphore, #tpu.memory_space<semaphore_mem>>) src(%dma_wait3A_977 : memref<3128xi32, #tpu.memory_space<hbm>>) dst(%arg5 : memref<3128xi32, #tpu.memory_space<vmem>>)
      tpu.yield
    }) : () -> ()
    %dma_start3A = arith.constant 3072 : i32
    %dma_start3A_4 = tpu.memref_slice %arg5[%dma_start3A] : memref<3128xi32, #tpu.memory_space<vmem>> -> memref<56xi32, #tpu.memory_space<vmem>>
    %dma_start3A_5 = arith.constant 0 : i32
    %dma_start3A_6 = arith.constant 0 : i32
    %dma_start3A_7 = tpu.memref_slice %arg3[%dma_start3A_5, %dma_start3A_6] : memref<100000x128xf32, #tpu.memory_space<hbm>> -> memref<100000x128xf32, #tpu.memory_space<hbm>>
    tpu.enqueue_indirect_dma source(%dma_start3A_7 : memref<100000x128xf32, #tpu.memory_space<hbm>>) target(%arg7 : memref<56x128xf32, #tpu.memory_space<vmem>>) offsets(%dma_start3A_4 : memref<56xi32, #tpu.memory_space<vmem>>) semaphore(%arg10 : memref<!tpu.dma_semaphore, #tpu.memory_space<semaphore_mem>>)
    %dma_start3A_8 = arith.constant 0 : i32
    %dma_start3A_9 = arith.constant 0 : i32
    %dma_start3A_10 = arith.constant 0 : i32
    %dma_start3A_11 = arith.constant 0 : i32
    %dma_start3A_12 = tpu.memref_slice %arg6[%dma_start3A_8, %dma_start3A_10, %dma_start3A_11] : memref<4x192x128xf32, #tpu.memory_space<vmem>> -> memref<1x192x128xf32, #tpu.memory_space<vmem>>
    %dma_start3A_13 = tpu.memref_squeeze %dma_start3A_12 : memref<1x192x128xf32, #tpu.memory_space<vmem>> -> memref<192x128xf32, #tpu.memory_space<vmem>>
    %dma_start3A_14 = arith.constant 0 : i32
    %dma_start3A_15 = tpu.memref_slice %arg5[%dma_start3A_14] : memref<3128xi32, #tpu.memory_space<vmem>> -> memref<192xi32, #tpu.memory_space<vmem>>
    %dma_start3A_16 = arith.constant 0 : i32
    %dma_start3A_17 = arith.constant 0 : i32
    %dma_start3A_18 = tpu.memref_slice %arg3[%dma_start3A_16, %dma_start3A_17] : memref<100000x128xf32, #tpu.memory_space<hbm>> -> memref<100000x128xf32, #tpu.memory_space<hbm>>
    %dma_start3A_19 = tpu.memref_slice %arg8[%dma_start3A_9] : memref<4x!tpu.dma_semaphore, #tpu.memory_space<semaphore_mem>> -> memref<1x!tpu.dma_semaphore, #tpu.memory_space<semaphore_mem>>
    %dma_start3A_20 = tpu.memref_squeeze %dma_start3A_19 : memref<1x!tpu.dma_semaphore, #tpu.memory_space<semaphore_mem>> -> memref<!tpu.dma_semaphore, #tpu.memory_space<semaphore_mem>>
    tpu.enqueue_indirect_dma source(%dma_start3A_18 : memref<100000x128xf32, #tpu.memory_space<hbm>>) target(%dma_start3A_13 : memref<192x128xf32, #tpu.memory_space<vmem>>) offsets(%dma_start3A_15 : memref<192xi32, #tpu.memory_space<vmem>>) semaphore(%dma_start3A_20 : memref<!tpu.dma_semaphore, #tpu.memory_space<semaphore_mem>>)
    %dma_start3A_21 = arith.constant 1 : i32
    %dma_start3A_22 = arith.constant 1 : i32
    %dma_start3A_23 = arith.constant 0 : i32
    %dma_start3A_24 = arith.constant 0 : i32
    %dma_start3A_25 = tpu.memref_slice %arg6[%dma_start3A_21, %dma_start3A_23, %dma_start3A_24] : memref<4x192x128xf32, #tpu.memory_space<vmem>> -> memref<1x192x128xf32, #tpu.memory_space<vmem>>
    %dma_start3A_26 = tpu.memref_squeeze %dma_start3A_25 : memref<1x192x128xf32, #tpu.memory_space<vmem>> -> memref<192x128xf32, #tpu.memory_space<vmem>>
    %dma_start3A_27 = arith.constant 192 : i32
    %dma_start3A_28 = tpu.memref_slice %arg5[%dma_start3A_27] : memref<3128xi32, #tpu.memory_space<vmem>> -> memref<192xi32, #tpu.memory_space<vmem>>
    %dma_start3A_29 = arith.constant 0 : i32
    %dma_start3A_30 = arith.constant 0 : i32
    %dma_start3A_31 = tpu.memref_slice %arg3[%dma_start3A_29, %dma_start3A_30] : memref<100000x128xf32, #tpu.memory_space<hbm>> -> memref<100000x128xf32, #tpu.memory_space<hbm>>
    %dma_start3A_32 = tpu.memref_slice %arg8[%dma_start3A_22] : memref<4x!tpu.dma_semaphore, #tpu.memory_space<semaphore_mem>> -> memref<1x!tpu.dma_semaphore, #tpu.memory_space<semaphore_mem>>
    %dma_start3A_33 = tpu.memref_squeeze %dma_start3A_32 : memref<1x!tpu.dma_semaphore, #tpu.memory_space<semaphore_mem>> -> memref<!tpu.dma_semaphore, #tpu.memory_space<semaphore_mem>>
    tpu.enqueue_indirect_dma source(%dma_start3A_31 : memref<100000x128xf32, #tpu.memory_space<hbm>>) target(%dma_start3A_26 : memref<192x128xf32, #tpu.memory_space<vmem>>) offsets(%dma_start3A_28 : memref<192xi32, #tpu.memory_space<vmem>>) semaphore(%dma_start3A_33 : memref<!tpu.dma_semaphore, #tpu.memory_space<semaphore_mem>>)
    %dma_start3A_34 = arith.constant 2 : i32
    %dma_start3A_35 = arith.constant 2 : i32
    %dma_start3A_36 = arith.constant 0 : i32
    %dma_start3A_37 = arith.constant 0 : i32
    %dma_start3A_38 = tpu.memref_slice %arg6[%dma_start3A_34, %dma_start3A_36, %dma_start3A_37] : memref<4x192x128xf32, #tpu.memory_space<vmem>> -> memref<1x192x128xf32, #tpu.memory_space<vmem>>
    %dma_start3A_39 = tpu.memref_squeeze %dma_start3A_38 : memref<1x192x128xf32, #tpu.memory_space<vmem>> -> memref<192x128xf32, #tpu.memory_space<vmem>>
    %dma_start3A_40 = arith.constant 384 : i32
    %dma_start3A_41 = tpu.memref_slice %arg5[%dma_start3A_40] : memref<3128xi32, #tpu.memory_space<vmem>> -> memref<192xi32, #tpu.memory_space<vmem>>
    %dma_start3A_42 = arith.constant 0 : i32
    %dma_start3A_43 = arith.constant 0 : i32
    %dma_start3A_44 = tpu.memref_slice %arg3[%dma_start3A_42, %dma_start3A_43] : memref<100000x128xf32, #tpu.memory_space<hbm>> -> memref<100000x128xf32, #tpu.memory_space<hbm>>
    %dma_start3A_45 = tpu.memref_slice %arg8[%dma_start3A_35] : memref<4x!tpu.dma_semaphore, #tpu.memory_space<semaphore_mem>> -> memref<1x!tpu.dma_semaphore, #tpu.memory_space<semaphore_mem>>
    %dma_start3A_46 = tpu.memref_squeeze %dma_start3A_45 : memref<1x!tpu.dma_semaphore, #tpu.memory_space<semaphore_mem>> -> memref<!tpu.dma_semaphore, #tpu.memory_space<semaphore_mem>>
    tpu.enqueue_indirect_dma source(%dma_start3A_44 : memref<100000x128xf32, #tpu.memory_space<hbm>>) target(%dma_start3A_39 : memref<192x128xf32, #tpu.memory_space<vmem>>) offsets(%dma_start3A_41 : memref<192xi32, #tpu.memory_space<vmem>>) semaphore(%dma_start3A_46 : memref<!tpu.dma_semaphore, #tpu.memory_space<semaphore_mem>>)
    %dma_wait3A = arith.constant 0 : i32
    %dma_wait3A_47 = arith.constant 0 : i32
    %dma_wait3A_48 = arith.constant 0 : i32
    %dma_wait3A_49 = arith.constant 0 : i32
    %dma_wait3A_50 = tpu.memref_slice %arg6[%dma_wait3A, %dma_wait3A_48, %dma_wait3A_49] : memref<4x192x128xf32, #tpu.memory_space<vmem>> -> memref<1x192x128xf32, #tpu.memory_space<vmem>>
    %dma_wait3A_51 = tpu.memref_squeeze %dma_wait3A_50 : memref<1x192x128xf32, #tpu.memory_space<vmem>> -> memref<192x128xf32, #tpu.memory_space<vmem>>
    %dma_wait3A_52 = arith.constant 0 : i32
    %dma_wait3A_53 = tpu.memref_slice %arg5[%dma_wait3A_52] : memref<3128xi32, #tpu.memory_space<vmem>> -> memref<192xi32, #tpu.memory_space<vmem>>
    %dma_wait3A_54 = arith.constant 0 : i32
    %dma_wait3A_55 = arith.constant 0 : i32
    %dma_wait3A_56 = tpu.memref_slice %arg3[%dma_wait3A_54, %dma_wait3A_55] : memref<100000x128xf32, #tpu.memory_space<hbm>> -> memref<100000x128xf32, #tpu.memory_space<hbm>>
    %dma_wait3A_57 = tpu.memref_slice %arg8[%dma_wait3A_47] : memref<4x!tpu.dma_semaphore, #tpu.memory_space<semaphore_mem>> -> memref<1x!tpu.dma_semaphore, #tpu.memory_space<semaphore_mem>>
    %dma_wait3A_58 = tpu.memref_squeeze %dma_wait3A_57 : memref<1x!tpu.dma_semaphore, #tpu.memory_space<semaphore_mem>> -> memref<!tpu.dma_semaphore, #tpu.memory_space<semaphore_mem>>
    tpu.wait_indirect_dma semaphore(%dma_wait3A_58 : memref<!tpu.dma_semaphore, #tpu.memory_space<semaphore_mem>>) src(%dma_wait3A_56 : memref<100000x128xf32, #tpu.memory_space<hbm>>) dst(%dma_wait3A_51 : memref<192x128xf32, #tpu.memory_space<vmem>>)
    %add3A_59 = arith.constant 0 : i32
    %add3A_60 = arith.addi %multiple_of3A, %add3A_59 : i32
    %dma_start3A_61 = arith.constant 0 : i32
    %dma_start3A_62 = arith.constant 0 : i32
    %dma_start3A_63 = arith.constant 0 : i32
    %dma_start3A_64 = arith.constant 0 : i32
    %dma_start3A_65 = tpu.memref_slice %arg6[%dma_start3A_61, %dma_start3A_63, %dma_start3A_64] : memref<4x192x128xf32, #tpu.memory_space<vmem>> -> memref<1x192x128xf32, #tpu.memory_space<vmem>>
    %dma_start3A_66 = tpu.memref_squeeze %dma_start3A_65 : memref<1x192x128xf32, #tpu.memory_space<vmem>> -> memref<192x128xf32, #tpu.memory_space<vmem>>
    %dma_start3A_67 = arith.constant 0 : i32
    %dma_start3A_68 = tpu.memref_slice %arg4[%add3A_60, %dma_start3A_67] : memref<100000x128xf32, #tpu.memory_space<hbm>> -> memref<192x128xf32, #tpu.memory_space<hbm>>
    %dma_start3A_69 = tpu.memref_slice %arg9[%dma_start3A_62] : memref<4x!tpu.dma_semaphore, #tpu.memory_space<semaphore_mem>> -> memref<1x!tpu.dma_semaphore, #tpu.memory_space<semaphore_mem>>
    %dma_start3A_70 = tpu.memref_squeeze %dma_start3A_69 : memref<1x!tpu.dma_semaphore, #tpu.memory_space<semaphore_mem>> -> memref<!tpu.dma_semaphore, #tpu.memory_space<semaphore_mem>>
    %dma_start3A_71 = arith.constant 0 : i32
    %dma_start3A_72 = tpu.memref_slice %arg4[%add3A_60, %dma_start3A_71] : memref<100000x128xf32, #tpu.memory_space<hbm>> -> memref<192x128xf32, #tpu.memory_space<hbm>>
    %dma_start3A_73 = arith.constant 0 : i32
    %dma_start3A_74 = arith.constant 0 : i32
    %dma_start3A_75 = tpu.memref_slice %arg6[%dma_start3A_61, %dma_start3A_73, %dma_start3A_74] : memref<4x192x128xf32, #tpu.memory_space<vmem>> -> memref<1x192x128xf32, #tpu.memory_space<vmem>>
    %dma_start3A_76 = tpu.memref_squeeze %dma_start3A_75 : memref<1x192x128xf32, #tpu.memory_space<vmem>> -> memref<192x128xf32, #tpu.memory_space<vmem>>
    tpu.enqueue_dma source(%dma_start3A_76 : memref<192x128xf32, #tpu.memory_space<vmem>>) target(%dma_start3A_72 : memref<192x128xf32, #tpu.memory_space<hbm>>) target_semaphore(%dma_start3A_70 : memref<!tpu.dma_semaphore, #tpu.memory_space<semaphore_mem>>)
    %dma_start3A_77 = arith.constant 3 : i32
    %dma_start3A_78 = arith.constant 3 : i32
    %dma_start3A_79 = arith.constant 0 : i32
    %dma_start3A_80 = arith.constant 0 : i32
    %dma_start3A_81 = tpu.memref_slice %arg6[%dma_start3A_77, %dma_start3A_79, %dma_start3A_80] : memref<4x192x128xf32, #tpu.memory_space<vmem>> -> memref<1x192x128xf32, #tpu.memory_space<vmem>>
    %dma_start3A_82 = tpu.memref_squeeze %dma_start3A_81 : memref<1x192x128xf32, #tpu.memory_space<vmem>> -> memref<192x128xf32, #tpu.memory_space<vmem>>
    %dma_start3A_83 = arith.constant 576 : i32
    %dma_start3A_84 = tpu.memref_slice %arg5[%dma_start3A_83] : memref<3128xi32, #tpu.memory_space<vmem>> -> memref<192xi32, #tpu.memory_space<vmem>>
    %dma_start3A_85 = arith.constant 0 : i32
    %dma_start3A_86 = arith.constant 0 : i32
    %dma_start3A_87 = tpu.memref_slice %arg3[%dma_start3A_85, %dma_start3A_86] : memref<100000x128xf32, #tpu.memory_space<hbm>> -> memref<100000x128xf32, #tpu.memory_space<hbm>>
    %dma_start3A_88 = tpu.memref_slice %arg8[%dma_start3A_78] : memref<4x!tpu.dma_semaphore, #tpu.memory_space<semaphore_mem>> -> memref<1x!tpu.dma_semaphore, #tpu.memory_space<semaphore_mem>>
    %dma_start3A_89 = tpu.memref_squeeze %dma_start3A_88 : memref<1x!tpu.dma_semaphore, #tpu.memory_space<semaphore_mem>> -> memref<!tpu.dma_semaphore, #tpu.memory_space<semaphore_mem>>
    tpu.enqueue_indirect_dma source(%dma_start3A_87 : memref<100000x128xf32, #tpu.memory_space<hbm>>) target(%dma_start3A_82 : memref<192x128xf32, #tpu.memory_space<vmem>>) offsets(%dma_start3A_84 : memref<192xi32, #tpu.memory_space<vmem>>) semaphore(%dma_start3A_89 : memref<!tpu.dma_semaphore, #tpu.memory_space<semaphore_mem>>)
    %dma_wait3A_90 = arith.constant 1 : i32
    %dma_wait3A_91 = arith.constant 1 : i32
    %dma_wait3A_92 = arith.constant 0 : i32
    %dma_wait3A_93 = arith.constant 0 : i32
    %dma_wait3A_94 = tpu.memref_slice %arg6[%dma_wait3A_90, %dma_wait3A_92, %dma_wait3A_93] : memref<4x192x128xf32, #tpu.memory_space<vmem>> -> memref<1x192x128xf32, #tpu.memory_space<vmem>>
    %dma_wait3A_95 = tpu.memref_squeeze %dma_wait3A_94 : memref<1x192x128xf32, #tpu.memory_space<vmem>> -> memref<192x128xf32, #tpu.memory_space<vmem>>
    %dma_wait3A_96 = arith.constant 192 : i32
    %dma_wait3A_97 = tpu.memref_slice %arg5[%dma_wait3A_96] : memref<3128xi32, #tpu.memory_space<vmem>> -> memref<192xi32, #tpu.memory_space<vmem>>
    %dma_wait3A_98 = arith.constant 0 : i32
    %dma_wait3A_99 = arith.constant 0 : i32
    %dma_wait3A_100 = tpu.memref_slice %arg3[%dma_wait3A_98, %dma_wait3A_99] : memref<100000x128xf32, #tpu.memory_space<hbm>> -> memref<100000x128xf32, #tpu.memory_space<hbm>>
    %dma_wait3A_101 = tpu.memref_slice %arg8[%dma_wait3A_91] : memref<4x!tpu.dma_semaphore, #tpu.memory_space<semaphore_mem>> -> memref<1x!tpu.dma_semaphore, #tpu.memory_space<semaphore_mem>>
    %dma_wait3A_102 = tpu.memref_squeeze %dma_wait3A_101 : memref<1x!tpu.dma_semaphore, #tpu.memory_space<semaphore_mem>> -> memref<!tpu.dma_semaphore, #tpu.memory_space<semaphore_mem>>
    tpu.wait_indirect_dma semaphore(%dma_wait3A_102 : memref<!tpu.dma_semaphore, #tpu.memory_space<semaphore_mem>>) src(%dma_wait3A_100 : memref<100000x128xf32, #tpu.memory_space<hbm>>) dst(%dma_wait3A_95 : memref<192x128xf32, #tpu.memory_space<vmem>>)
    %add3A_103 = arith.constant 192 : i32
    %add3A_104 = arith.addi %multiple_of3A, %add3A_103 : i32
    %dma_start3A_105 = arith.constant 1 : i32
    %dma_start3A_106 = arith.constant 1 : i32
    %dma_start3A_107 = arith.constant 0 : i32
    %dma_start3A_108 = arith.constant 0 : i32
    %dma_start3A_109 = tpu.memref_slice %arg6[%dma_start3A_105, %dma_start3A_107, %dma_start3A_108] : memref<4x192x128xf32, #tpu.memory_space<vmem>> -> memref<1x192x128xf32, #tpu.memory_space<vmem>>
    %dma_start3A_110 = tpu.memref_squeeze %dma_start3A_109 : memref<1x192x128xf32, #tpu.memory_space<vmem>> -> memref<192x128xf32, #tpu.memory_space<vmem>>
    %dma_start3A_111 = arith.constant 0 : i32
    %dma_start3A_112 = tpu.memref_slice %arg4[%add3A_104, %dma_start3A_111] : memref<100000x128xf32, #tpu.memory_space<hbm>> -> memref<192x128xf32, #tpu.memory_space<hbm>>
    %dma_start3A_113 = tpu.memref_slice %arg9[%dma_start3A_106] : memref<4x!tpu.dma_semaphore, #tpu.memory_space<semaphore_mem>> -> memref<1x!tpu.dma_semaphore, #tpu.memory_space<semaphore_mem>>
    %dma_start3A_114 = tpu.memref_squeeze %dma_start3A_113 : memref<1x!tpu.dma_semaphore, #tpu.memory_space<semaphore_mem>> -> memref<!tpu.dma_semaphore, #tpu.memory_space<semaphore_mem>>
    %dma_start3A_115 = arith.constant 0 : i32
    %dma_start3A_116 = tpu.memref_slice %arg4[%add3A_104, %dma_start3A_115] : memref<100000x128xf32, #tpu.memory_space<hbm>> -> memref<192x128xf32, #tpu.memory_space<hbm>>
    %dma_start3A_117 = arith.constant 0 : i32
    %dma_start3A_118 = arith.constant 0 : i32
    %dma_start3A_119 = tpu.memref_slice %arg6[%dma_start3A_105, %dma_start3A_117, %dma_start3A_118] : memref<4x192x128xf32, #tpu.memory_space<vmem>> -> memref<1x192x128xf32, #tpu.memory_space<vmem>>
    %dma_start3A_120 = tpu.memref_squeeze %dma_start3A_119 : memref<1x192x128xf32, #tpu.memory_space<vmem>> -> memref<192x128xf32, #tpu.memory_space<vmem>>
    tpu.enqueue_dma source(%dma_start3A_120 : memref<192x128xf32, #tpu.memory_space<vmem>>) target(%dma_start3A_116 : memref<192x128xf32, #tpu.memory_space<hbm>>) target_semaphore(%dma_start3A_114 : memref<!tpu.dma_semaphore, #tpu.memory_space<semaphore_mem>>)
    %dma_wait3A_121 = arith.constant 0 : i32
    %dma_wait3A_122 = arith.constant 0 : i32
    %dma_wait3A_123 = arith.constant 0 : i32
    %dma_wait3A_124 = arith.constant 0 : i32
    %dma_wait3A_125 = tpu.memref_slice %arg6[%dma_wait3A_121, %dma_wait3A_123, %dma_wait3A_124] : memref<4x192x128xf32, #tpu.memory_space<vmem>> -> memref<1x192x128xf32, #tpu.memory_space<vmem>>
    %dma_wait3A_126 = tpu.memref_squeeze %dma_wait3A_125 : memref<1x192x128xf32, #tpu.memory_space<vmem>> -> memref<192x128xf32, #tpu.memory_space<vmem>>
    %dma_wait3A_127 = arith.constant 0 : i32
    %dma_wait3A_128 = tpu.memref_slice %arg4[%add3A_60, %dma_wait3A_127] : memref<100000x128xf32, #tpu.memory_space<hbm>> -> memref<192x128xf32, #tpu.memory_space<hbm>>
    %dma_wait3A_129 = tpu.memref_slice %arg9[%dma_wait3A_122] : memref<4x!tpu.dma_semaphore, #tpu.memory_space<semaphore_mem>> -> memref<1x!tpu.dma_semaphore, #tpu.memory_space<semaphore_mem>>
    %dma_wait3A_130 = tpu.memref_squeeze %dma_wait3A_129 : memref<1x!tpu.dma_semaphore, #tpu.memory_space<semaphore_mem>> -> memref<!tpu.dma_semaphore, #tpu.memory_space<semaphore_mem>>
    %dma_wait3A_131 = arith.constant 0 : i32
    %dma_wait3A_132 = tpu.memref_slice %arg4[%add3A_60, %dma_wait3A_131] : memref<100000x128xf32, #tpu.memory_space<hbm>> -> memref<192x128xf32, #tpu.memory_space<hbm>>
    %dma_wait3A_133 = arith.constant 0 : i32
    %dma_wait3A_134 = arith.constant 0 : i32
    %dma_wait3A_135 = tpu.memref_slice %arg6[%dma_wait3A_121, %dma_wait3A_133, %dma_wait3A_134] : memref<4x192x128xf32, #tpu.memory_space<vmem>> -> memref<1x192x128xf32, #tpu.memory_space<vmem>>
    %dma_wait3A_136 = tpu.memref_squeeze %dma_wait3A_135 : memref<1x192x128xf32, #tpu.memory_space<vmem>> -> memref<192x128xf32, #tpu.memory_space<vmem>>
    tpu.wait_dma2 semaphore(%dma_wait3A_130 : memref<!tpu.dma_semaphore, #tpu.memory_space<semaphore_mem>>) src(%dma_wait3A_136 : memref<192x128xf32, #tpu.memory_space<vmem>>) dst(%dma_wait3A_132 : memref<192x128xf32, #tpu.memory_space<hbm>>)
    %dma_start3A_137 = arith.constant 0 : i32
    %dma_start3A_138 = arith.constant 0 : i32
    %dma_start3A_139 = arith.constant 0 : i32
    %dma_start3A_140 = arith.constant 0 : i32
    %dma_start3A_141 = tpu.memref_slice %arg6[%dma_start3A_137, %dma_start3A_139, %dma_start3A_140] : memref<4x192x128xf32, #tpu.memory_space<vmem>> -> memref<1x192x128xf32, #tpu.memory_space<vmem>>
    %dma_start3A_142 = tpu.memref_squeeze %dma_start3A_141 : memref<1x192x128xf32, #tpu.memory_space<vmem>> -> memref<192x128xf32, #tpu.memory_space<vmem>>
    %dma_start3A_143 = arith.constant 768 : i32
    %dma_start3A_144 = tpu.memref_slice %arg5[%dma_start3A_143] : memref<3128xi32, #tpu.memory_space<vmem>> -> memref<192xi32, #tpu.memory_space<vmem>>
    %dma_start3A_145 = arith.constant 0 : i32
    %dma_start3A_146 = arith.constant 0 : i32
    %dma_start3A_147 = tpu.memref_slice %arg3[%dma_start3A_145, %dma_start3A_146] : memref<100000x128xf32, #tpu.memory_space<hbm>> -> memref<100000x128xf32, #tpu.memory_space<hbm>>
    %dma_start3A_148 = tpu.memref_slice %arg8[%dma_start3A_138] : memref<4x!tpu.dma_semaphore, #tpu.memory_space<semaphore_mem>> -> memref<1x!tpu.dma_semaphore, #tpu.memory_space<semaphore_mem>>
    %dma_start3A_149 = tpu.memref_squeeze %dma_start3A_148 : memref<1x!tpu.dma_semaphore, #tpu.memory_space<semaphore_mem>> -> memref<!tpu.dma_semaphore, #tpu.memory_space<semaphore_mem>>
    tpu.enqueue_indirect_dma source(%dma_start3A_147 : memref<100000x128xf32, #tpu.memory_space<hbm>>) target(%dma_start3A_142 : memref<192x128xf32, #tpu.memory_space<vmem>>) offsets(%dma_start3A_144 : memref<192xi32, #tpu.memory_space<vmem>>) semaphore(%dma_start3A_149 : memref<!tpu.dma_semaphore, #tpu.memory_space<semaphore_mem>>)
    %dma_wait3A_150 = arith.constant 2 : i32
    %dma_wait3A_151 = arith.constant 2 : i32
    %dma_wait3A_152 = arith.constant 0 : i32
    %dma_wait3A_153 = arith.constant 0 : i32
    %dma_wait3A_154 = tpu.memref_slice %arg6[%dma_wait3A_150, %dma_wait3A_152, %dma_wait3A_153] : memref<4x192x128xf32, #tpu.memory_space<vmem>> -> memref<1x192x128xf32, #tpu.memory_space<vmem>>
    %dma_wait3A_155 = tpu.memref_squeeze %dma_wait3A_154 : memref<1x192x128xf32, #tpu.memory_space<vmem>> -> memref<192x128xf32, #tpu.memory_space<vmem>>
    %dma_wait3A_156 = arith.constant 384 : i32
    %dma_wait3A_157 = tpu.memref_slice %arg5[%dma_wait3A_156] : memref<3128xi32, #tpu.memory_space<vmem>> -> memref<192xi32, #tpu.memory_space<vmem>>
    %dma_wait3A_158 = arith.constant 0 : i32
    %dma_wait3A_159 = arith.constant 0 : i32
    %dma_wait3A_160 = tpu.memref_slice %arg3[%dma_wait3A_158, %dma_wait3A_159] : memref<100000x128xf32, #tpu.memory_space<hbm>> -> memref<100000x128xf32, #tpu.memory_space<hbm>>
    %dma_wait3A_161 = tpu.memref_slice %arg8[%dma_wait3A_151] : memref<4x!tpu.dma_semaphore, #tpu.memory_space<semaphore_mem>> -> memref<1x!tpu.dma_semaphore, #tpu.memory_space<semaphore_mem>>
    %dma_wait3A_162 = tpu.memref_squeeze %dma_wait3A_161 : memref<1x!tpu.dma_semaphore, #tpu.memory_space<semaphore_mem>> -> memref<!tpu.dma_semaphore, #tpu.memory_space<semaphore_mem>>
    tpu.wait_indirect_dma semaphore(%dma_wait3A_162 : memref<!tpu.dma_semaphore, #tpu.memory_space<semaphore_mem>>) src(%dma_wait3A_160 : memref<100000x128xf32, #tpu.memory_space<hbm>>) dst(%dma_wait3A_155 : memref<192x128xf32, #tpu.memory_space<vmem>>)
    %add3A_163 = arith.constant 384 : i32
    %add3A_164 = arith.addi %multiple_of3A, %add3A_163 : i32
    %dma_start3A_165 = arith.constant 2 : i32
    %dma_start3A_166 = arith.constant 2 : i32
    %dma_start3A_167 = arith.constant 0 : i32
    %dma_start3A_168 = arith.constant 0 : i32
    %dma_start3A_169 = tpu.memref_slice %arg6[%dma_start3A_165, %dma_start3A_167, %dma_start3A_168] : memref<4x192x128xf32, #tpu.memory_space<vmem>> -> memref<1x192x128xf32, #tpu.memory_space<vmem>>
    %dma_start3A_170 = tpu.memref_squeeze %dma_start3A_169 : memref<1x192x128xf32, #tpu.memory_space<vmem>> -> memref<192x128xf32, #tpu.memory_space<vmem>>
    %dma_start3A_171 = arith.constant 0 : i32
    %dma_start3A_172 = tpu.memref_slice %arg4[%add3A_164, %dma_start3A_171] : memref<100000x128xf32, #tpu.memory_space<hbm>> -> memref<192x128xf32, #tpu.memory_space<hbm>>
    %dma_start3A_173 = tpu.memref_slice %arg9[%dma_start3A_166] : memref<4x!tpu.dma_semaphore, #tpu.memory_space<semaphore_mem>> -> memref<1x!tpu.dma_semaphore, #tpu.memory_space<semaphore_mem>>
    %dma_start3A_174 = tpu.memref_squeeze %dma_start3A_173 : memref<1x!tpu.dma_semaphore, #tpu.memory_space<semaphore_mem>> -> memref<!tpu.dma_semaphore, #tpu.memory_space<semaphore_mem>>
    %dma_start3A_175 = arith.constant 0 : i32
    %dma_start3A_176 = tpu.memref_slice %arg4[%add3A_164, %dma_start3A_175] : memref<100000x128xf32, #tpu.memory_space<hbm>> -> memref<192x128xf32, #tpu.memory_space<hbm>>
    %dma_start3A_177 = arith.constant 0 : i32
    %dma_start3A_178 = arith.constant 0 : i32
    %dma_start3A_179 = tpu.memref_slice %arg6[%dma_start3A_165, %dma_start3A_177, %dma_start3A_178] : memref<4x192x128xf32, #tpu.memory_space<vmem>> -> memref<1x192x128xf32, #tpu.memory_space<vmem>>
    %dma_start3A_180 = tpu.memref_squeeze %dma_start3A_179 : memref<1x192x128xf32, #tpu.memory_space<vmem>> -> memref<192x128xf32, #tpu.memory_space<vmem>>
    tpu.enqueue_dma source(%dma_start3A_180 : memref<192x128xf32, #tpu.memory_space<vmem>>) target(%dma_start3A_176 : memref<192x128xf32, #tpu.memory_space<hbm>>) target_semaphore(%dma_start3A_174 : memref<!tpu.dma_semaphore, #tpu.memory_space<semaphore_mem>>)
    %dma_wait3A_181 = arith.constant 1 : i32
    %dma_wait3A_182 = arith.constant 1 : i32
    %dma_wait3A_183 = arith.constant 0 : i32
    %dma_wait3A_184 = arith.constant 0 : i32
    %dma_wait3A_185 = tpu.memref_slice %arg6[%dma_wait3A_181, %dma_wait3A_183, %dma_wait3A_184] : memref<4x192x128xf32, #tpu.memory_space<vmem>> -> memref<1x192x128xf32, #tpu.memory_space<vmem>>
    %dma_wait3A_186 = tpu.memref_squeeze %dma_wait3A_185 : memref<1x192x128xf32, #tpu.memory_space<vmem>> -> memref<192x128xf32, #tpu.memory_space<vmem>>
    %dma_wait3A_187 = arith.constant 0 : i32
    %dma_wait3A_188 = tpu.memref_slice %arg4[%add3A_104, %dma_wait3A_187] : memref<100000x128xf32, #tpu.memory_space<hbm>> -> memref<192x128xf32, #tpu.memory_space<hbm>>
    %dma_wait3A_189 = tpu.memref_slice %arg9[%dma_wait3A_182] : memref<4x!tpu.dma_semaphore, #tpu.memory_space<semaphore_mem>> -> memref<1x!tpu.dma_semaphore, #tpu.memory_space<semaphore_mem>>
    %dma_wait3A_190 = tpu.memref_squeeze %dma_wait3A_189 : memref<1x!tpu.dma_semaphore, #tpu.memory_space<semaphore_mem>> -> memref<!tpu.dma_semaphore, #tpu.memory_space<semaphore_mem>>
    %dma_wait3A_191 = arith.constant 0 : i32
    %dma_wait3A_192 = tpu.memref_slice %arg4[%add3A_104, %dma_wait3A_191] : memref<100000x128xf32, #tpu.memory_space<hbm>> -> memref<192x128xf32, #tpu.memory_space<hbm>>
    %dma_wait3A_193 = arith.constant 0 : i32
    %dma_wait3A_194 = arith.constant 0 : i32
    %dma_wait3A_195 = tpu.memref_slice %arg6[%dma_wait3A_181, %dma_wait3A_193, %dma_wait3A_194] : memref<4x192x128xf32, #tpu.memory_space<vmem>> -> memref<1x192x128xf32, #tpu.memory_space<vmem>>
    %dma_wait3A_196 = tpu.memref_squeeze %dma_wait3A_195 : memref<1x192x128xf32, #tpu.memory_space<vmem>> -> memref<192x128xf32, #tpu.memory_space<vmem>>
    tpu.wait_dma2 semaphore(%dma_wait3A_190 : memref<!tpu.dma_semaphore, #tpu.memory_space<semaphore_mem>>) src(%dma_wait3A_196 : memref<192x128xf32, #tpu.memory_space<vmem>>) dst(%dma_wait3A_192 : memref<192x128xf32, #tpu.memory_space<hbm>>)
    %dma_start3A_197 = arith.constant 1 : i32
    %dma_start3A_198 = arith.constant 1 : i32
    %dma_start3A_199 = arith.constant 0 : i32
    %dma_start3A_200 = arith.constant 0 : i32
    %dma_start3A_201 = tpu.memref_slice %arg6[%dma_start3A_197, %dma_start3A_199, %dma_start3A_200] : memref<4x192x128xf32, #tpu.memory_space<vmem>> -> memref<1x192x128xf32, #tpu.memory_space<vmem>>
    %dma_start3A_202 = tpu.memref_squeeze %dma_start3A_201 : memref<1x192x128xf32, #tpu.memory_space<vmem>> -> memref<192x128xf32, #tpu.memory_space<vmem>>
    %dma_start3A_203 = arith.constant 960 : i32
    %dma_start3A_204 = tpu.memref_slice %arg5[%dma_start3A_203] : memref<3128xi32, #tpu.memory_space<vmem>> -> memref<192xi32, #tpu.memory_space<vmem>>
    %dma_start3A_205 = arith.constant 0 : i32
    %dma_start3A_206 = arith.constant 0 : i32
    %dma_start3A_207 = tpu.memref_slice %arg3[%dma_start3A_205, %dma_start3A_206] : memref<100000x128xf32, #tpu.memory_space<hbm>> -> memref<100000x128xf32, #tpu.memory_space<hbm>>
    %dma_start3A_208 = tpu.memref_slice %arg8[%dma_start3A_198] : memref<4x!tpu.dma_semaphore, #tpu.memory_space<semaphore_mem>> -> memref<1x!tpu.dma_semaphore, #tpu.memory_space<semaphore_mem>>
    %dma_start3A_209 = tpu.memref_squeeze %dma_start3A_208 : memref<1x!tpu.dma_semaphore, #tpu.memory_space<semaphore_mem>> -> memref<!tpu.dma_semaphore, #tpu.memory_space<semaphore_mem>>
    tpu.enqueue_indirect_dma source(%dma_start3A_207 : memref<100000x128xf32, #tpu.memory_space<hbm>>) target(%dma_start3A_202 : memref<192x128xf32, #tpu.memory_space<vmem>>) offsets(%dma_start3A_204 : memref<192xi32, #tpu.memory_space<vmem>>) semaphore(%dma_start3A_209 : memref<!tpu.dma_semaphore, #tpu.memory_space<semaphore_mem>>)
    %dma_wait3A_210 = arith.constant 3 : i32
    %dma_wait3A_211 = arith.constant 3 : i32
    %dma_wait3A_212 = arith.constant 0 : i32
    %dma_wait3A_213 = arith.constant 0 : i32
    %dma_wait3A_214 = tpu.memref_slice %arg6[%dma_wait3A_210, %dma_wait3A_212, %dma_wait3A_213] : memref<4x192x128xf32, #tpu.memory_space<vmem>> -> memref<1x192x128xf32, #tpu.memory_space<vmem>>
    %dma_wait3A_215 = tpu.memref_squeeze %dma_wait3A_214 : memref<1x192x128xf32, #tpu.memory_space<vmem>> -> memref<192x128xf32, #tpu.memory_space<vmem>>
    %dma_wait3A_216 = arith.constant 576 : i32
    %dma_wait3A_217 = tpu.memref_slice %arg5[%dma_wait3A_216] : memref<3128xi32, #tpu.memory_space<vmem>> -> memref<192xi32, #tpu.memory_space<vmem>>
    %dma_wait3A_218 = arith.constant 0 : i32
    %dma_wait3A_219 = arith.constant 0 : i32
    %dma_wait3A_220 = tpu.memref_slice %arg3[%dma_wait3A_218, %dma_wait3A_219] : memref<100000x128xf32, #tpu.memory_space<hbm>> -> memref<100000x128xf32, #tpu.memory_space<hbm>>
    %dma_wait3A_221 = tpu.memref_slice %arg8[%dma_wait3A_211] : memref<4x!tpu.dma_semaphore, #tpu.memory_space<semaphore_mem>> -> memref<1x!tpu.dma_semaphore, #tpu.memory_space<semaphore_mem>>
    %dma_wait3A_222 = tpu.memref_squeeze %dma_wait3A_221 : memref<1x!tpu.dma_semaphore, #tpu.memory_space<semaphore_mem>> -> memref<!tpu.dma_semaphore, #tpu.memory_space<semaphore_mem>>
    tpu.wait_indirect_dma semaphore(%dma_wait3A_222 : memref<!tpu.dma_semaphore, #tpu.memory_space<semaphore_mem>>) src(%dma_wait3A_220 : memref<100000x128xf32, #tpu.memory_space<hbm>>) dst(%dma_wait3A_215 : memref<192x128xf32, #tpu.memory_space<vmem>>)
    %add3A_223 = arith.constant 576 : i32
    %add3A_224 = arith.addi %multiple_of3A, %add3A_223 : i32
    %dma_start3A_225 = arith.constant 3 : i32
    %dma_start3A_226 = arith.constant 3 : i32
    %dma_start3A_227 = arith.constant 0 : i32
    %dma_start3A_228 = arith.constant 0 : i32
    %dma_start3A_229 = tpu.memref_slice %arg6[%dma_start3A_225, %dma_start3A_227, %dma_start3A_228] : memref<4x192x128xf32, #tpu.memory_space<vmem>> -> memref<1x192x128xf32, #tpu.memory_space<vmem>>
    %dma_start3A_230 = tpu.memref_squeeze %dma_start3A_229 : memref<1x192x128xf32, #tpu.memory_space<vmem>> -> memref<192x128xf32, #tpu.memory_space<vmem>>
    %dma_start3A_231 = arith.constant 0 : i32
    %dma_start3A_232 = tpu.memref_slice %arg4[%add3A_224, %dma_start3A_231] : memref<100000x128xf32, #tpu.memory_space<hbm>> -> memref<192x128xf32, #tpu.memory_space<hbm>>
    %dma_start3A_233 = tpu.memref_slice %arg9[%dma_start3A_226] : memref<4x!tpu.dma_semaphore, #tpu.memory_space<semaphore_mem>> -> memref<1x!tpu.dma_semaphore, #tpu.memory_space<semaphore_mem>>
    %dma_start3A_234 = tpu.memref_squeeze %dma_start3A_233 : memref<1x!tpu.dma_semaphore, #tpu.memory_space<semaphore_mem>> -> memref<!tpu.dma_semaphore, #tpu.memory_space<semaphore_mem>>
    %dma_start3A_235 = arith.constant 0 : i32
    %dma_start3A_236 = tpu.memref_slice %arg4[%add3A_224, %dma_start3A_235] : memref<100000x128xf32, #tpu.memory_space<hbm>> -> memref<192x128xf32, #tpu.memory_space<hbm>>
    %dma_start3A_237 = arith.constant 0 : i32
    %dma_start3A_238 = arith.constant 0 : i32
    %dma_start3A_239 = tpu.memref_slice %arg6[%dma_start3A_225, %dma_start3A_237, %dma_start3A_238] : memref<4x192x128xf32, #tpu.memory_space<vmem>> -> memref<1x192x128xf32, #tpu.memory_space<vmem>>
    %dma_start3A_240 = tpu.memref_squeeze %dma_start3A_239 : memref<1x192x128xf32, #tpu.memory_space<vmem>> -> memref<192x128xf32, #tpu.memory_space<vmem>>
    tpu.enqueue_dma source(%dma_start3A_240 : memref<192x128xf32, #tpu.memory_space<vmem>>) target(%dma_start3A_236 : memref<192x128xf32, #tpu.memory_space<hbm>>) target_semaphore(%dma_start3A_234 : memref<!tpu.dma_semaphore, #tpu.memory_space<semaphore_mem>>)
    %dma_wait3A_241 = arith.constant 2 : i32
    %dma_wait3A_242 = arith.constant 2 : i32
    %dma_wait3A_243 = arith.constant 0 : i32
    %dma_wait3A_244 = arith.constant 0 : i32
    %dma_wait3A_245 = tpu.memref_slice %arg6[%dma_wait3A_241, %dma_wait3A_243, %dma_wait3A_244] : memref<4x192x128xf32, #tpu.memory_space<vmem>> -> memref<1x192x128xf32, #tpu.memory_space<vmem>>
    %dma_wait3A_246 = tpu.memref_squeeze %dma_wait3A_245 : memref<1x192x128xf32, #tpu.memory_space<vmem>> -> memref<192x128xf32, #tpu.memory_space<vmem>>
    %dma_wait3A_247 = arith.constant 0 : i32
    %dma_wait3A_248 = tpu.memref_slice %arg4[%add3A_164, %dma_wait3A_247] : memref<100000x128xf32, #tpu.memory_space<hbm>> -> memref<192x128xf32, #tpu.memory_space<hbm>>
    %dma_wait3A_249 = tpu.memref_slice %arg9[%dma_wait3A_242] : memref<4x!tpu.dma_semaphore, #tpu.memory_space<semaphore_mem>> -> memref<1x!tpu.dma_semaphore, #tpu.memory_space<semaphore_mem>>
    %dma_wait3A_250 = tpu.memref_squeeze %dma_wait3A_249 : memref<1x!tpu.dma_semaphore, #tpu.memory_space<semaphore_mem>> -> memref<!tpu.dma_semaphore, #tpu.memory_space<semaphore_mem>>
    %dma_wait3A_251 = arith.constant 0 : i32
    %dma_wait3A_252 = tpu.memref_slice %arg4[%add3A_164, %dma_wait3A_251] : memref<100000x128xf32, #tpu.memory_space<hbm>> -> memref<192x128xf32, #tpu.memory_space<hbm>>
    %dma_wait3A_253 = arith.constant 0 : i32
    %dma_wait3A_254 = arith.constant 0 : i32
    %dma_wait3A_255 = tpu.memref_slice %arg6[%dma_wait3A_241, %dma_wait3A_253, %dma_wait3A_254] : memref<4x192x128xf32, #tpu.memory_space<vmem>> -> memref<1x192x128xf32, #tpu.memory_space<vmem>>
    %dma_wait3A_256 = tpu.memref_squeeze %dma_wait3A_255 : memref<1x192x128xf32, #tpu.memory_space<vmem>> -> memref<192x128xf32, #tpu.memory_space<vmem>>
    tpu.wait_dma2 semaphore(%dma_wait3A_250 : memref<!tpu.dma_semaphore, #tpu.memory_space<semaphore_mem>>) src(%dma_wait3A_256 : memref<192x128xf32, #tpu.memory_space<vmem>>) dst(%dma_wait3A_252 : memref<192x128xf32, #tpu.memory_space<hbm>>)
    %dma_start3A_257 = arith.constant 2 : i32
    %dma_start3A_258 = arith.constant 2 : i32
    %dma_start3A_259 = arith.constant 0 : i32
    %dma_start3A_260 = arith.constant 0 : i32
    %dma_start3A_261 = tpu.memref_slice %arg6[%dma_start3A_257, %dma_start3A_259, %dma_start3A_260] : memref<4x192x128xf32, #tpu.memory_space<vmem>> -> memref<1x192x128xf32, #tpu.memory_space<vmem>>
    %dma_start3A_262 = tpu.memref_squeeze %dma_start3A_261 : memref<1x192x128xf32, #tpu.memory_space<vmem>> -> memref<192x128xf32, #tpu.memory_space<vmem>>
    %dma_start3A_263 = arith.constant 1152 : i32
    %dma_start3A_264 = tpu.memref_slice %arg5[%dma_start3A_263] : memref<3128xi32, #tpu.memory_space<vmem>> -> memref<192xi32, #tpu.memory_space<vmem>>
    %dma_start3A_265 = arith.constant 0 : i32
    %dma_start3A_266 = arith.constant 0 : i32
    %dma_start3A_267 = tpu.memref_slice %arg3[%dma_start3A_265, %dma_start3A_266] : memref<100000x128xf32, #tpu.memory_space<hbm>> -> memref<100000x128xf32, #tpu.memory_space<hbm>>
    %dma_start3A_268 = tpu.memref_slice %arg8[%dma_start3A_258] : memref<4x!tpu.dma_semaphore, #tpu.memory_space<semaphore_mem>> -> memref<1x!tpu.dma_semaphore, #tpu.memory_space<semaphore_mem>>
    %dma_start3A_269 = tpu.memref_squeeze %dma_start3A_268 : memref<1x!tpu.dma_semaphore, #tpu.memory_space<semaphore_mem>> -> memref<!tpu.dma_semaphore, #tpu.memory_space<semaphore_mem>>
    tpu.enqueue_indirect_dma source(%dma_start3A_267 : memref<100000x128xf32, #tpu.memory_space<hbm>>) target(%dma_start3A_262 : memref<192x128xf32, #tpu.memory_space<vmem>>) offsets(%dma_start3A_264 : memref<192xi32, #tpu.memory_space<vmem>>) semaphore(%dma_start3A_269 : memref<!tpu.dma_semaphore, #tpu.memory_space<semaphore_mem>>)
    %dma_wait3A_270 = arith.constant 0 : i32
    %dma_wait3A_271 = arith.constant 0 : i32
    %dma_wait3A_272 = arith.constant 0 : i32
    %dma_wait3A_273 = arith.constant 0 : i32
    %dma_wait3A_274 = tpu.memref_slice %arg6[%dma_wait3A_270, %dma_wait3A_272, %dma_wait3A_273] : memref<4x192x128xf32, #tpu.memory_space<vmem>> -> memref<1x192x128xf32, #tpu.memory_space<vmem>>
    %dma_wait3A_275 = tpu.memref_squeeze %dma_wait3A_274 : memref<1x192x128xf32, #tpu.memory_space<vmem>> -> memref<192x128xf32, #tpu.memory_space<vmem>>
    %dma_wait3A_276 = arith.constant 768 : i32
    %dma_wait3A_277 = tpu.memref_slice %arg5[%dma_wait3A_276] : memref<3128xi32, #tpu.memory_space<vmem>> -> memref<192xi32, #tpu.memory_space<vmem>>
    %dma_wait3A_278 = arith.constant 0 : i32
    %dma_wait3A_279 = arith.constant 0 : i32
    %dma_wait3A_280 = tpu.memref_slice %arg3[%dma_wait3A_278, %dma_wait3A_279] : memref<100000x128xf32, #tpu.memory_space<hbm>> -> memref<100000x128xf32, #tpu.memory_space<hbm>>
    %dma_wait3A_281 = tpu.memref_slice %arg8[%dma_wait3A_271] : memref<4x!tpu.dma_semaphore, #tpu.memory_space<semaphore_mem>> -> memref<1x!tpu.dma_semaphore, #tpu.memory_space<semaphore_mem>>
    %dma_wait3A_282 = tpu.memref_squeeze %dma_wait3A_281 : memref<1x!tpu.dma_semaphore, #tpu.memory_space<semaphore_mem>> -> memref<!tpu.dma_semaphore, #tpu.memory_space<semaphore_mem>>
    tpu.wait_indirect_dma semaphore(%dma_wait3A_282 : memref<!tpu.dma_semaphore, #tpu.memory_space<semaphore_mem>>) src(%dma_wait3A_280 : memref<100000x128xf32, #tpu.memory_space<hbm>>) dst(%dma_wait3A_275 : memref<192x128xf32, #tpu.memory_space<vmem>>)
    %add3A_283 = arith.constant 768 : i32
    %add3A_284 = arith.addi %multiple_of3A, %add3A_283 : i32
    %dma_start3A_285 = arith.constant 0 : i32
    %dma_start3A_286 = arith.constant 0 : i32
    %dma_start3A_287 = arith.constant 0 : i32
    %dma_start3A_288 = arith.constant 0 : i32
    %dma_start3A_289 = tpu.memref_slice %arg6[%dma_start3A_285, %dma_start3A_287, %dma_start3A_288] : memref<4x192x128xf32, #tpu.memory_space<vmem>> -> memref<1x192x128xf32, #tpu.memory_space<vmem>>
    %dma_start3A_290 = tpu.memref_squeeze %dma_start3A_289 : memref<1x192x128xf32, #tpu.memory_space<vmem>> -> memref<192x128xf32, #tpu.memory_space<vmem>>
    %dma_start3A_291 = arith.constant 0 : i32
    %dma_start3A_292 = tpu.memref_slice %arg4[%add3A_284, %dma_start3A_291] : memref<100000x128xf32, #tpu.memory_space<hbm>> -> memref<192x128xf32, #tpu.memory_space<hbm>>
    %dma_start3A_293 = tpu.memref_slice %arg9[%dma_start3A_286] : memref<4x!tpu.dma_semaphore, #tpu.memory_space<semaphore_mem>> -> memref<1x!tpu.dma_semaphore, #tpu.memory_space<semaphore_mem>>
    %dma_start3A_294 = tpu.memref_squeeze %dma_start3A_293 : memref<1x!tpu.dma_semaphore, #tpu.memory_space<semaphore_mem>> -> memref<!tpu.dma_semaphore, #tpu.memory_space<semaphore_mem>>
    %dma_start3A_295 = arith.constant 0 : i32
    %dma_start3A_296 = tpu.memref_slice %arg4[%add3A_284, %dma_start3A_295] : memref<100000x128xf32, #tpu.memory_space<hbm>> -> memref<192x128xf32, #tpu.memory_space<hbm>>
    %dma_start3A_297 = arith.constant 0 : i32
    %dma_start3A_298 = arith.constant 0 : i32
    %dma_start3A_299 = tpu.memref_slice %arg6[%dma_start3A_285, %dma_start3A_297, %dma_start3A_298] : memref<4x192x128xf32, #tpu.memory_space<vmem>> -> memref<1x192x128xf32, #tpu.memory_space<vmem>>
    %dma_start3A_300 = tpu.memref_squeeze %dma_start3A_299 : memref<1x192x128xf32, #tpu.memory_space<vmem>> -> memref<192x128xf32, #tpu.memory_space<vmem>>
    tpu.enqueue_dma source(%dma_start3A_300 : memref<192x128xf32, #tpu.memory_space<vmem>>) target(%dma_start3A_296 : memref<192x128xf32, #tpu.memory_space<hbm>>) target_semaphore(%dma_start3A_294 : memref<!tpu.dma_semaphore, #tpu.memory_space<semaphore_mem>>)
    %dma_wait3A_301 = arith.constant 3 : i32
    %dma_wait3A_302 = arith.constant 3 : i32
    %dma_wait3A_303 = arith.constant 0 : i32
    %dma_wait3A_304 = arith.constant 0 : i32
    %dma_wait3A_305 = tpu.memref_slice %arg6[%dma_wait3A_301, %dma_wait3A_303, %dma_wait3A_304] : memref<4x192x128xf32, #tpu.memory_space<vmem>> -> memref<1x192x128xf32, #tpu.memory_space<vmem>>
    %dma_wait3A_306 = tpu.memref_squeeze %dma_wait3A_305 : memref<1x192x128xf32, #tpu.memory_space<vmem>> -> memref<192x128xf32, #tpu.memory_space<vmem>>
    %dma_wait3A_307 = arith.constant 0 : i32
    %dma_wait3A_308 = tpu.memref_slice %arg4[%add3A_224, %dma_wait3A_307] : memref<100000x128xf32, #tpu.memory_space<hbm>> -> memref<192x128xf32, #tpu.memory_space<hbm>>
    %dma_wait3A_309 = tpu.memref_slice %arg9[%dma_wait3A_302] : memref<4x!tpu.dma_semaphore, #tpu.memory_space<semaphore_mem>> -> memref<1x!tpu.dma_semaphore, #tpu.memory_space<semaphore_mem>>
    %dma_wait3A_310 = tpu.memref_squeeze %dma_wait3A_309 : memref<1x!tpu.dma_semaphore, #tpu.memory_space<semaphore_mem>> -> memref<!tpu.dma_semaphore, #tpu.memory_space<semaphore_mem>>
    %dma_wait3A_311 = arith.constant 0 : i32
    %dma_wait3A_312 = tpu.memref_slice %arg4[%add3A_224, %dma_wait3A_311] : memref<100000x128xf32, #tpu.memory_space<hbm>> -> memref<192x128xf32, #tpu.memory_space<hbm>>
    %dma_wait3A_313 = arith.constant 0 : i32
    %dma_wait3A_314 = arith.constant 0 : i32
    %dma_wait3A_315 = tpu.memref_slice %arg6[%dma_wait3A_301, %dma_wait3A_313, %dma_wait3A_314] : memref<4x192x128xf32, #tpu.memory_space<vmem>> -> memref<1x192x128xf32, #tpu.memory_space<vmem>>
    %dma_wait3A_316 = tpu.memref_squeeze %dma_wait3A_315 : memref<1x192x128xf32, #tpu.memory_space<vmem>> -> memref<192x128xf32, #tpu.memory_space<vmem>>
    tpu.wait_dma2 semaphore(%dma_wait3A_310 : memref<!tpu.dma_semaphore, #tpu.memory_space<semaphore_mem>>) src(%dma_wait3A_316 : memref<192x128xf32, #tpu.memory_space<vmem>>) dst(%dma_wait3A_312 : memref<192x128xf32, #tpu.memory_space<hbm>>)
    %dma_start3A_317 = arith.constant 3 : i32
    %dma_start3A_318 = arith.constant 3 : i32
    %dma_start3A_319 = arith.constant 0 : i32
    %dma_start3A_320 = arith.constant 0 : i32
    %dma_start3A_321 = tpu.memref_slice %arg6[%dma_start3A_317, %dma_start3A_319, %dma_start3A_320] : memref<4x192x128xf32, #tpu.memory_space<vmem>> -> memref<1x192x128xf32, #tpu.memory_space<vmem>>
    %dma_start3A_322 = tpu.memref_squeeze %dma_start3A_321 : memref<1x192x128xf32, #tpu.memory_space<vmem>> -> memref<192x128xf32, #tpu.memory_space<vmem>>
    %dma_start3A_323 = arith.constant 1344 : i32
    %dma_start3A_324 = tpu.memref_slice %arg5[%dma_start3A_323] : memref<3128xi32, #tpu.memory_space<vmem>> -> memref<192xi32, #tpu.memory_space<vmem>>
    %dma_start3A_325 = arith.constant 0 : i32
    %dma_start3A_326 = arith.constant 0 : i32
    %dma_start3A_327 = tpu.memref_slice %arg3[%dma_start3A_325, %dma_start3A_326] : memref<100000x128xf32, #tpu.memory_space<hbm>> -> memref<100000x128xf32, #tpu.memory_space<hbm>>
    %dma_start3A_328 = tpu.memref_slice %arg8[%dma_start3A_318] : memref<4x!tpu.dma_semaphore, #tpu.memory_space<semaphore_mem>> -> memref<1x!tpu.dma_semaphore, #tpu.memory_space<semaphore_mem>>
    %dma_start3A_329 = tpu.memref_squeeze %dma_start3A_328 : memref<1x!tpu.dma_semaphore, #tpu.memory_space<semaphore_mem>> -> memref<!tpu.dma_semaphore, #tpu.memory_space<semaphore_mem>>
    tpu.enqueue_indirect_dma source(%dma_start3A_327 : memref<100000x128xf32, #tpu.memory_space<hbm>>) target(%dma_start3A_322 : memref<192x128xf32, #tpu.memory_space<vmem>>) offsets(%dma_start3A_324 : memref<192xi32, #tpu.memory_space<vmem>>) semaphore(%dma_start3A_329 : memref<!tpu.dma_semaphore, #tpu.memory_space<semaphore_mem>>)
    %dma_wait3A_330 = arith.constant 1 : i32
    %dma_wait3A_331 = arith.constant 1 : i32
    %dma_wait3A_332 = arith.constant 0 : i32
    %dma_wait3A_333 = arith.constant 0 : i32
    %dma_wait3A_334 = tpu.memref_slice %arg6[%dma_wait3A_330, %dma_wait3A_332, %dma_wait3A_333] : memref<4x192x128xf32, #tpu.memory_space<vmem>> -> memref<1x192x128xf32, #tpu.memory_space<vmem>>
    %dma_wait3A_335 = tpu.memref_squeeze %dma_wait3A_334 : memref<1x192x128xf32, #tpu.memory_space<vmem>> -> memref<192x128xf32, #tpu.memory_space<vmem>>
    %dma_wait3A_336 = arith.constant 960 : i32
    %dma_wait3A_337 = tpu.memref_slice %arg5[%dma_wait3A_336] : memref<3128xi32, #tpu.memory_space<vmem>> -> memref<192xi32, #tpu.memory_space<vmem>>
    %dma_wait3A_338 = arith.constant 0 : i32
    %dma_wait3A_339 = arith.constant 0 : i32
    %dma_wait3A_340 = tpu.memref_slice %arg3[%dma_wait3A_338, %dma_wait3A_339] : memref<100000x128xf32, #tpu.memory_space<hbm>> -> memref<100000x128xf32, #tpu.memory_space<hbm>>
    %dma_wait3A_341 = tpu.memref_slice %arg8[%dma_wait3A_331] : memref<4x!tpu.dma_semaphore, #tpu.memory_space<semaphore_mem>> -> memref<1x!tpu.dma_semaphore, #tpu.memory_space<semaphore_mem>>
    %dma_wait3A_342 = tpu.memref_squeeze %dma_wait3A_341 : memref<1x!tpu.dma_semaphore, #tpu.memory_space<semaphore_mem>> -> memref<!tpu.dma_semaphore, #tpu.memory_space<semaphore_mem>>
    tpu.wait_indirect_dma semaphore(%dma_wait3A_342 : memref<!tpu.dma_semaphore, #tpu.memory_space<semaphore_mem>>) src(%dma_wait3A_340 : memref<100000x128xf32, #tpu.memory_space<hbm>>) dst(%dma_wait3A_335 : memref<192x128xf32, #tpu.memory_space<vmem>>)
    %add3A_343 = arith.constant 960 : i32
    %add3A_344 = arith.addi %multiple_of3A, %add3A_343 : i32
    %dma_start3A_345 = arith.constant 1 : i32
    %dma_start3A_346 = arith.constant 1 : i32
    %dma_start3A_347 = arith.constant 0 : i32
    %dma_start3A_348 = arith.constant 0 : i32
    %dma_start3A_349 = tpu.memref_slice %arg6[%dma_start3A_345, %dma_start3A_347, %dma_start3A_348] : memref<4x192x128xf32, #tpu.memory_space<vmem>> -> memref<1x192x128xf32, #tpu.memory_space<vmem>>
    %dma_start3A_350 = tpu.memref_squeeze %dma_start3A_349 : memref<1x192x128xf32, #tpu.memory_space<vmem>> -> memref<192x128xf32, #tpu.memory_space<vmem>>
    %dma_start3A_351 = arith.constant 0 : i32
    %dma_start3A_352 = tpu.memref_slice %arg4[%add3A_344, %dma_start3A_351] : memref<100000x128xf32, #tpu.memory_space<hbm>> -> memref<192x128xf32, #tpu.memory_space<hbm>>
    %dma_start3A_353 = tpu.memref_slice %arg9[%dma_start3A_346] : memref<4x!tpu.dma_semaphore, #tpu.memory_space<semaphore_mem>> -> memref<1x!tpu.dma_semaphore, #tpu.memory_space<semaphore_mem>>
    %dma_start3A_354 = tpu.memref_squeeze %dma_start3A_353 : memref<1x!tpu.dma_semaphore, #tpu.memory_space<semaphore_mem>> -> memref<!tpu.dma_semaphore, #tpu.memory_space<semaphore_mem>>
    %dma_start3A_355 = arith.constant 0 : i32
    %dma_start3A_356 = tpu.memref_slice %arg4[%add3A_344, %dma_start3A_355] : memref<100000x128xf32, #tpu.memory_space<hbm>> -> memref<192x128xf32, #tpu.memory_space<hbm>>
    %dma_start3A_357 = arith.constant 0 : i32
    %dma_start3A_358 = arith.constant 0 : i32
    %dma_start3A_359 = tpu.memref_slice %arg6[%dma_start3A_345, %dma_start3A_357, %dma_start3A_358] : memref<4x192x128xf32, #tpu.memory_space<vmem>> -> memref<1x192x128xf32, #tpu.memory_space<vmem>>
    %dma_start3A_360 = tpu.memref_squeeze %dma_start3A_359 : memref<1x192x128xf32, #tpu.memory_space<vmem>> -> memref<192x128xf32, #tpu.memory_space<vmem>>
    tpu.enqueue_dma source(%dma_start3A_360 : memref<192x128xf32, #tpu.memory_space<vmem>>) target(%dma_start3A_356 : memref<192x128xf32, #tpu.memory_space<hbm>>) target_semaphore(%dma_start3A_354 : memref<!tpu.dma_semaphore, #tpu.memory_space<semaphore_mem>>)
    %dma_wait3A_361 = arith.constant 0 : i32
    %dma_wait3A_362 = arith.constant 0 : i32
    %dma_wait3A_363 = arith.constant 0 : i32
    %dma_wait3A_364 = arith.constant 0 : i32
    %dma_wait3A_365 = tpu.memref_slice %arg6[%dma_wait3A_361, %dma_wait3A_363, %dma_wait3A_364] : memref<4x192x128xf32, #tpu.memory_space<vmem>> -> memref<1x192x128xf32, #tpu.memory_space<vmem>>
    %dma_wait3A_366 = tpu.memref_squeeze %dma_wait3A_365 : memref<1x192x128xf32, #tpu.memory_space<vmem>> -> memref<192x128xf32, #tpu.memory_space<vmem>>
    %dma_wait3A_367 = arith.constant 0 : i32
    %dma_wait3A_368 = tpu.memref_slice %arg4[%add3A_284, %dma_wait3A_367] : memref<100000x128xf32, #tpu.memory_space<hbm>> -> memref<192x128xf32, #tpu.memory_space<hbm>>
    %dma_wait3A_369 = tpu.memref_slice %arg9[%dma_wait3A_362] : memref<4x!tpu.dma_semaphore, #tpu.memory_space<semaphore_mem>> -> memref<1x!tpu.dma_semaphore, #tpu.memory_space<semaphore_mem>>
    %dma_wait3A_370 = tpu.memref_squeeze %dma_wait3A_369 : memref<1x!tpu.dma_semaphore, #tpu.memory_space<semaphore_mem>> -> memref<!tpu.dma_semaphore, #tpu.memory_space<semaphore_mem>>
    %dma_wait3A_371 = arith.constant 0 : i32
    %dma_wait3A_372 = tpu.memref_slice %arg4[%add3A_284, %dma_wait3A_371] : memref<100000x128xf32, #tpu.memory_space<hbm>> -> memref<192x128xf32, #tpu.memory_space<hbm>>
    %dma_wait3A_373 = arith.constant 0 : i32
    %dma_wait3A_374 = arith.constant 0 : i32
    %dma_wait3A_375 = tpu.memref_slice %arg6[%dma_wait3A_361, %dma_wait3A_373, %dma_wait3A_374] : memref<4x192x128xf32, #tpu.memory_space<vmem>> -> memref<1x192x128xf32, #tpu.memory_space<vmem>>
    %dma_wait3A_376 = tpu.memref_squeeze %dma_wait3A_375 : memref<1x192x128xf32, #tpu.memory_space<vmem>> -> memref<192x128xf32, #tpu.memory_space<vmem>>
    tpu.wait_dma2 semaphore(%dma_wait3A_370 : memref<!tpu.dma_semaphore, #tpu.memory_space<semaphore_mem>>) src(%dma_wait3A_376 : memref<192x128xf32, #tpu.memory_space<vmem>>) dst(%dma_wait3A_372 : memref<192x128xf32, #tpu.memory_space<hbm>>)
    %dma_start3A_377 = arith.constant 0 : i32
    %dma_start3A_378 = arith.constant 0 : i32
    %dma_start3A_379 = arith.constant 0 : i32
    %dma_start3A_380 = arith.constant 0 : i32
    %dma_start3A_381 = tpu.memref_slice %arg6[%dma_start3A_377, %dma_start3A_379, %dma_start3A_380] : memref<4x192x128xf32, #tpu.memory_space<vmem>> -> memref<1x192x128xf32, #tpu.memory_space<vmem>>
    %dma_start3A_382 = tpu.memref_squeeze %dma_start3A_381 : memref<1x192x128xf32, #tpu.memory_space<vmem>> -> memref<192x128xf32, #tpu.memory_space<vmem>>
    %dma_start3A_383 = arith.constant 1536 : i32
    %dma_start3A_384 = tpu.memref_slice %arg5[%dma_start3A_383] : memref<3128xi32, #tpu.memory_space<vmem>> -> memref<192xi32, #tpu.memory_space<vmem>>
    %dma_start3A_385 = arith.constant 0 : i32
    %dma_start3A_386 = arith.constant 0 : i32
    %dma_start3A_387 = tpu.memref_slice %arg3[%dma_start3A_385, %dma_start3A_386] : memref<100000x128xf32, #tpu.memory_space<hbm>> -> memref<100000x128xf32, #tpu.memory_space<hbm>>
    %dma_start3A_388 = tpu.memref_slice %arg8[%dma_start3A_378] : memref<4x!tpu.dma_semaphore, #tpu.memory_space<semaphore_mem>> -> memref<1x!tpu.dma_semaphore, #tpu.memory_space<semaphore_mem>>
    %dma_start3A_389 = tpu.memref_squeeze %dma_start3A_388 : memref<1x!tpu.dma_semaphore, #tpu.memory_space<semaphore_mem>> -> memref<!tpu.dma_semaphore, #tpu.memory_space<semaphore_mem>>
    tpu.enqueue_indirect_dma source(%dma_start3A_387 : memref<100000x128xf32, #tpu.memory_space<hbm>>) target(%dma_start3A_382 : memref<192x128xf32, #tpu.memory_space<vmem>>) offsets(%dma_start3A_384 : memref<192xi32, #tpu.memory_space<vmem>>) semaphore(%dma_start3A_389 : memref<!tpu.dma_semaphore, #tpu.memory_space<semaphore_mem>>)
    %dma_wait3A_390 = arith.constant 2 : i32
    %dma_wait3A_391 = arith.constant 2 : i32
    %dma_wait3A_392 = arith.constant 0 : i32
    %dma_wait3A_393 = arith.constant 0 : i32
    %dma_wait3A_394 = tpu.memref_slice %arg6[%dma_wait3A_390, %dma_wait3A_392, %dma_wait3A_393] : memref<4x192x128xf32, #tpu.memory_space<vmem>> -> memref<1x192x128xf32, #tpu.memory_space<vmem>>
    %dma_wait3A_395 = tpu.memref_squeeze %dma_wait3A_394 : memref<1x192x128xf32, #tpu.memory_space<vmem>> -> memref<192x128xf32, #tpu.memory_space<vmem>>
    %dma_wait3A_396 = arith.constant 1152 : i32
    %dma_wait3A_397 = tpu.memref_slice %arg5[%dma_wait3A_396] : memref<3128xi32, #tpu.memory_space<vmem>> -> memref<192xi32, #tpu.memory_space<vmem>>
    %dma_wait3A_398 = arith.constant 0 : i32
    %dma_wait3A_399 = arith.constant 0 : i32
    %dma_wait3A_400 = tpu.memref_slice %arg3[%dma_wait3A_398, %dma_wait3A_399] : memref<100000x128xf32, #tpu.memory_space<hbm>> -> memref<100000x128xf32, #tpu.memory_space<hbm>>
    %dma_wait3A_401 = tpu.memref_slice %arg8[%dma_wait3A_391] : memref<4x!tpu.dma_semaphore, #tpu.memory_space<semaphore_mem>> -> memref<1x!tpu.dma_semaphore, #tpu.memory_space<semaphore_mem>>
    %dma_wait3A_402 = tpu.memref_squeeze %dma_wait3A_401 : memref<1x!tpu.dma_semaphore, #tpu.memory_space<semaphore_mem>> -> memref<!tpu.dma_semaphore, #tpu.memory_space<semaphore_mem>>
    tpu.wait_indirect_dma semaphore(%dma_wait3A_402 : memref<!tpu.dma_semaphore, #tpu.memory_space<semaphore_mem>>) src(%dma_wait3A_400 : memref<100000x128xf32, #tpu.memory_space<hbm>>) dst(%dma_wait3A_395 : memref<192x128xf32, #tpu.memory_space<vmem>>)
    %add3A_403 = arith.constant 1152 : i32
    %add3A_404 = arith.addi %multiple_of3A, %add3A_403 : i32
    %dma_start3A_405 = arith.constant 2 : i32
    %dma_start3A_406 = arith.constant 2 : i32
    %dma_start3A_407 = arith.constant 0 : i32
    %dma_start3A_408 = arith.constant 0 : i32
    %dma_start3A_409 = tpu.memref_slice %arg6[%dma_start3A_405, %dma_start3A_407, %dma_start3A_408] : memref<4x192x128xf32, #tpu.memory_space<vmem>> -> memref<1x192x128xf32, #tpu.memory_space<vmem>>
    %dma_start3A_410 = tpu.memref_squeeze %dma_start3A_409 : memref<1x192x128xf32, #tpu.memory_space<vmem>> -> memref<192x128xf32, #tpu.memory_space<vmem>>
    %dma_start3A_411 = arith.constant 0 : i32
    %dma_start3A_412 = tpu.memref_slice %arg4[%add3A_404, %dma_start3A_411] : memref<100000x128xf32, #tpu.memory_space<hbm>> -> memref<192x128xf32, #tpu.memory_space<hbm>>
    %dma_start3A_413 = tpu.memref_slice %arg9[%dma_start3A_406] : memref<4x!tpu.dma_semaphore, #tpu.memory_space<semaphore_mem>> -> memref<1x!tpu.dma_semaphore, #tpu.memory_space<semaphore_mem>>
    %dma_start3A_414 = tpu.memref_squeeze %dma_start3A_413 : memref<1x!tpu.dma_semaphore, #tpu.memory_space<semaphore_mem>> -> memref<!tpu.dma_semaphore, #tpu.memory_space<semaphore_mem>>
    %dma_start3A_415 = arith.constant 0 : i32
    %dma_start3A_416 = tpu.memref_slice %arg4[%add3A_404, %dma_start3A_415] : memref<100000x128xf32, #tpu.memory_space<hbm>> -> memref<192x128xf32, #tpu.memory_space<hbm>>
    %dma_start3A_417 = arith.constant 0 : i32
    %dma_start3A_418 = arith.constant 0 : i32
    %dma_start3A_419 = tpu.memref_slice %arg6[%dma_start3A_405, %dma_start3A_417, %dma_start3A_418] : memref<4x192x128xf32, #tpu.memory_space<vmem>> -> memref<1x192x128xf32, #tpu.memory_space<vmem>>
    %dma_start3A_420 = tpu.memref_squeeze %dma_start3A_419 : memref<1x192x128xf32, #tpu.memory_space<vmem>> -> memref<192x128xf32, #tpu.memory_space<vmem>>
    tpu.enqueue_dma source(%dma_start3A_420 : memref<192x128xf32, #tpu.memory_space<vmem>>) target(%dma_start3A_416 : memref<192x128xf32, #tpu.memory_space<hbm>>) target_semaphore(%dma_start3A_414 : memref<!tpu.dma_semaphore, #tpu.memory_space<semaphore_mem>>)
    %dma_wait3A_421 = arith.constant 1 : i32
    %dma_wait3A_422 = arith.constant 1 : i32
    %dma_wait3A_423 = arith.constant 0 : i32
    %dma_wait3A_424 = arith.constant 0 : i32
    %dma_wait3A_425 = tpu.memref_slice %arg6[%dma_wait3A_421, %dma_wait3A_423, %dma_wait3A_424] : memref<4x192x128xf32, #tpu.memory_space<vmem>> -> memref<1x192x128xf32, #tpu.memory_space<vmem>>
    %dma_wait3A_426 = tpu.memref_squeeze %dma_wait3A_425 : memref<1x192x128xf32, #tpu.memory_space<vmem>> -> memref<192x128xf32, #tpu.memory_space<vmem>>
    %dma_wait3A_427 = arith.constant 0 : i32
    %dma_wait3A_428 = tpu.memref_slice %arg4[%add3A_344, %dma_wait3A_427] : memref<100000x128xf32, #tpu.memory_space<hbm>> -> memref<192x128xf32, #tpu.memory_space<hbm>>
    %dma_wait3A_429 = tpu.memref_slice %arg9[%dma_wait3A_422] : memref<4x!tpu.dma_semaphore, #tpu.memory_space<semaphore_mem>> -> memref<1x!tpu.dma_semaphore, #tpu.memory_space<semaphore_mem>>
    %dma_wait3A_430 = tpu.memref_squeeze %dma_wait3A_429 : memref<1x!tpu.dma_semaphore, #tpu.memory_space<semaphore_mem>> -> memref<!tpu.dma_semaphore, #tpu.memory_space<semaphore_mem>>
    %dma_wait3A_431 = arith.constant 0 : i32
    %dma_wait3A_432 = tpu.memref_slice %arg4[%add3A_344, %dma_wait3A_431] : memref<100000x128xf32, #tpu.memory_space<hbm>> -> memref<192x128xf32, #tpu.memory_space<hbm>>
    %dma_wait3A_433 = arith.constant 0 : i32
    %dma_wait3A_434 = arith.constant 0 : i32
    %dma_wait3A_435 = tpu.memref_slice %arg6[%dma_wait3A_421, %dma_wait3A_433, %dma_wait3A_434] : memref<4x192x128xf32, #tpu.memory_space<vmem>> -> memref<1x192x128xf32, #tpu.memory_space<vmem>>
    %dma_wait3A_436 = tpu.memref_squeeze %dma_wait3A_435 : memref<1x192x128xf32, #tpu.memory_space<vmem>> -> memref<192x128xf32, #tpu.memory_space<vmem>>
    tpu.wait_dma2 semaphore(%dma_wait3A_430 : memref<!tpu.dma_semaphore, #tpu.memory_space<semaphore_mem>>) src(%dma_wait3A_436 : memref<192x128xf32, #tpu.memory_space<vmem>>) dst(%dma_wait3A_432 : memref<192x128xf32, #tpu.memory_space<hbm>>)
    %dma_start3A_437 = arith.constant 1 : i32
    %dma_start3A_438 = arith.constant 1 : i32
    %dma_start3A_439 = arith.constant 0 : i32
    %dma_start3A_440 = arith.constant 0 : i32
    %dma_start3A_441 = tpu.memref_slice %arg6[%dma_start3A_437, %dma_start3A_439, %dma_start3A_440] : memref<4x192x128xf32, #tpu.memory_space<vmem>> -> memref<1x192x128xf32, #tpu.memory_space<vmem>>
    %dma_start3A_442 = tpu.memref_squeeze %dma_start3A_441 : memref<1x192x128xf32, #tpu.memory_space<vmem>> -> memref<192x128xf32, #tpu.memory_space<vmem>>
    %dma_start3A_443 = arith.constant 1728 : i32
    %dma_start3A_444 = tpu.memref_slice %arg5[%dma_start3A_443] : memref<3128xi32, #tpu.memory_space<vmem>> -> memref<192xi32, #tpu.memory_space<vmem>>
    %dma_start3A_445 = arith.constant 0 : i32
    %dma_start3A_446 = arith.constant 0 : i32
    %dma_start3A_447 = tpu.memref_slice %arg3[%dma_start3A_445, %dma_start3A_446] : memref<100000x128xf32, #tpu.memory_space<hbm>> -> memref<100000x128xf32, #tpu.memory_space<hbm>>
    %dma_start3A_448 = tpu.memref_slice %arg8[%dma_start3A_438] : memref<4x!tpu.dma_semaphore, #tpu.memory_space<semaphore_mem>> -> memref<1x!tpu.dma_semaphore, #tpu.memory_space<semaphore_mem>>
    %dma_start3A_449 = tpu.memref_squeeze %dma_start3A_448 : memref<1x!tpu.dma_semaphore, #tpu.memory_space<semaphore_mem>> -> memref<!tpu.dma_semaphore, #tpu.memory_space<semaphore_mem>>
    tpu.enqueue_indirect_dma source(%dma_start3A_447 : memref<100000x128xf32, #tpu.memory_space<hbm>>) target(%dma_start3A_442 : memref<192x128xf32, #tpu.memory_space<vmem>>) offsets(%dma_start3A_444 : memref<192xi32, #tpu.memory_space<vmem>>) semaphore(%dma_start3A_449 : memref<!tpu.dma_semaphore, #tpu.memory_space<semaphore_mem>>)
    %dma_wait3A_450 = arith.constant 3 : i32
    %dma_wait3A_451 = arith.constant 3 : i32
    %dma_wait3A_452 = arith.constant 0 : i32
    %dma_wait3A_453 = arith.constant 0 : i32
    %dma_wait3A_454 = tpu.memref_slice %arg6[%dma_wait3A_450, %dma_wait3A_452, %dma_wait3A_453] : memref<4x192x128xf32, #tpu.memory_space<vmem>> -> memref<1x192x128xf32, #tpu.memory_space<vmem>>
    %dma_wait3A_455 = tpu.memref_squeeze %dma_wait3A_454 : memref<1x192x128xf32, #tpu.memory_space<vmem>> -> memref<192x128xf32, #tpu.memory_space<vmem>>
    %dma_wait3A_456 = arith.constant 1344 : i32
    %dma_wait3A_457 = tpu.memref_slice %arg5[%dma_wait3A_456] : memref<3128xi32, #tpu.memory_space<vmem>> -> memref<192xi32, #tpu.memory_space<vmem>>
    %dma_wait3A_458 = arith.constant 0 : i32
    %dma_wait3A_459 = arith.constant 0 : i32
    %dma_wait3A_460 = tpu.memref_slice %arg3[%dma_wait3A_458, %dma_wait3A_459] : memref<100000x128xf32, #tpu.memory_space<hbm>> -> memref<100000x128xf32, #tpu.memory_space<hbm>>
    %dma_wait3A_461 = tpu.memref_slice %arg8[%dma_wait3A_451] : memref<4x!tpu.dma_semaphore, #tpu.memory_space<semaphore_mem>> -> memref<1x!tpu.dma_semaphore, #tpu.memory_space<semaphore_mem>>
    %dma_wait3A_462 = tpu.memref_squeeze %dma_wait3A_461 : memref<1x!tpu.dma_semaphore, #tpu.memory_space<semaphore_mem>> -> memref<!tpu.dma_semaphore, #tpu.memory_space<semaphore_mem>>
    tpu.wait_indirect_dma semaphore(%dma_wait3A_462 : memref<!tpu.dma_semaphore, #tpu.memory_space<semaphore_mem>>) src(%dma_wait3A_460 : memref<100000x128xf32, #tpu.memory_space<hbm>>) dst(%dma_wait3A_455 : memref<192x128xf32, #tpu.memory_space<vmem>>)
    %add3A_463 = arith.constant 1344 : i32
    %add3A_464 = arith.addi %multiple_of3A, %add3A_463 : i32
    %dma_start3A_465 = arith.constant 3 : i32
    %dma_start3A_466 = arith.constant 3 : i32
    %dma_start3A_467 = arith.constant 0 : i32
    %dma_start3A_468 = arith.constant 0 : i32
    %dma_start3A_469 = tpu.memref_slice %arg6[%dma_start3A_465, %dma_start3A_467, %dma_start3A_468] : memref<4x192x128xf32, #tpu.memory_space<vmem>> -> memref<1x192x128xf32, #tpu.memory_space<vmem>>
    %dma_start3A_470 = tpu.memref_squeeze %dma_start3A_469 : memref<1x192x128xf32, #tpu.memory_space<vmem>> -> memref<192x128xf32, #tpu.memory_space<vmem>>
    %dma_start3A_471 = arith.constant 0 : i32
    %dma_start3A_472 = tpu.memref_slice %arg4[%add3A_464, %dma_start3A_471] : memref<100000x128xf32, #tpu.memory_space<hbm>> -> memref<192x128xf32, #tpu.memory_space<hbm>>
    %dma_start3A_473 = tpu.memref_slice %arg9[%dma_start3A_466] : memref<4x!tpu.dma_semaphore, #tpu.memory_space<semaphore_mem>> -> memref<1x!tpu.dma_semaphore, #tpu.memory_space<semaphore_mem>>
    %dma_start3A_474 = tpu.memref_squeeze %dma_start3A_473 : memref<1x!tpu.dma_semaphore, #tpu.memory_space<semaphore_mem>> -> memref<!tpu.dma_semaphore, #tpu.memory_space<semaphore_mem>>
    %dma_start3A_475 = arith.constant 0 : i32
    %dma_start3A_476 = tpu.memref_slice %arg4[%add3A_464, %dma_start3A_475] : memref<100000x128xf32, #tpu.memory_space<hbm>> -> memref<192x128xf32, #tpu.memory_space<hbm>>
    %dma_start3A_477 = arith.constant 0 : i32
    %dma_start3A_478 = arith.constant 0 : i32
    %dma_start3A_479 = tpu.memref_slice %arg6[%dma_start3A_465, %dma_start3A_477, %dma_start3A_478] : memref<4x192x128xf32, #tpu.memory_space<vmem>> -> memref<1x192x128xf32, #tpu.memory_space<vmem>>
    %dma_start3A_480 = tpu.memref_squeeze %dma_start3A_479 : memref<1x192x128xf32, #tpu.memory_space<vmem>> -> memref<192x128xf32, #tpu.memory_space<vmem>>
    tpu.enqueue_dma source(%dma_start3A_480 : memref<192x128xf32, #tpu.memory_space<vmem>>) target(%dma_start3A_476 : memref<192x128xf32, #tpu.memory_space<hbm>>) target_semaphore(%dma_start3A_474 : memref<!tpu.dma_semaphore, #tpu.memory_space<semaphore_mem>>)
    %dma_wait3A_481 = arith.constant 2 : i32
    %dma_wait3A_482 = arith.constant 2 : i32
    %dma_wait3A_483 = arith.constant 0 : i32
    %dma_wait3A_484 = arith.constant 0 : i32
    %dma_wait3A_485 = tpu.memref_slice %arg6[%dma_wait3A_481, %dma_wait3A_483, %dma_wait3A_484] : memref<4x192x128xf32, #tpu.memory_space<vmem>> -> memref<1x192x128xf32, #tpu.memory_space<vmem>>
    %dma_wait3A_486 = tpu.memref_squeeze %dma_wait3A_485 : memref<1x192x128xf32, #tpu.memory_space<vmem>> -> memref<192x128xf32, #tpu.memory_space<vmem>>
    %dma_wait3A_487 = arith.constant 0 : i32
    %dma_wait3A_488 = tpu.memref_slice %arg4[%add3A_404, %dma_wait3A_487] : memref<100000x128xf32, #tpu.memory_space<hbm>> -> memref<192x128xf32, #tpu.memory_space<hbm>>
    %dma_wait3A_489 = tpu.memref_slice %arg9[%dma_wait3A_482] : memref<4x!tpu.dma_semaphore, #tpu.memory_space<semaphore_mem>> -> memref<1x!tpu.dma_semaphore, #tpu.memory_space<semaphore_mem>>
    %dma_wait3A_490 = tpu.memref_squeeze %dma_wait3A_489 : memref<1x!tpu.dma_semaphore, #tpu.memory_space<semaphore_mem>> -> memref<!tpu.dma_semaphore, #tpu.memory_space<semaphore_mem>>
    %dma_wait3A_491 = arith.constant 0 : i32
    %dma_wait3A_492 = tpu.memref_slice %arg4[%add3A_404, %dma_wait3A_491] : memref<100000x128xf32, #tpu.memory_space<hbm>> -> memref<192x128xf32, #tpu.memory_space<hbm>>
    %dma_wait3A_493 = arith.constant 0 : i32
    %dma_wait3A_494 = arith.constant 0 : i32
    %dma_wait3A_495 = tpu.memref_slice %arg6[%dma_wait3A_481, %dma_wait3A_493, %dma_wait3A_494] : memref<4x192x128xf32, #tpu.memory_space<vmem>> -> memref<1x192x128xf32, #tpu.memory_space<vmem>>
    %dma_wait3A_496 = tpu.memref_squeeze %dma_wait3A_495 : memref<1x192x128xf32, #tpu.memory_space<vmem>> -> memref<192x128xf32, #tpu.memory_space<vmem>>
    tpu.wait_dma2 semaphore(%dma_wait3A_490 : memref<!tpu.dma_semaphore, #tpu.memory_space<semaphore_mem>>) src(%dma_wait3A_496 : memref<192x128xf32, #tpu.memory_space<vmem>>) dst(%dma_wait3A_492 : memref<192x128xf32, #tpu.memory_space<hbm>>)
    %dma_start3A_497 = arith.constant 2 : i32
    %dma_start3A_498 = arith.constant 2 : i32
    %dma_start3A_499 = arith.constant 0 : i32
    %dma_start3A_500 = arith.constant 0 : i32
    %dma_start3A_501 = tpu.memref_slice %arg6[%dma_start3A_497, %dma_start3A_499, %dma_start3A_500] : memref<4x192x128xf32, #tpu.memory_space<vmem>> -> memref<1x192x128xf32, #tpu.memory_space<vmem>>
    %dma_start3A_502 = tpu.memref_squeeze %dma_start3A_501 : memref<1x192x128xf32, #tpu.memory_space<vmem>> -> memref<192x128xf32, #tpu.memory_space<vmem>>
    %dma_start3A_503 = arith.constant 1920 : i32
    %dma_start3A_504 = tpu.memref_slice %arg5[%dma_start3A_503] : memref<3128xi32, #tpu.memory_space<vmem>> -> memref<192xi32, #tpu.memory_space<vmem>>
    %dma_start3A_505 = arith.constant 0 : i32
    %dma_start3A_506 = arith.constant 0 : i32
    %dma_start3A_507 = tpu.memref_slice %arg3[%dma_start3A_505, %dma_start3A_506] : memref<100000x128xf32, #tpu.memory_space<hbm>> -> memref<100000x128xf32, #tpu.memory_space<hbm>>
    %dma_start3A_508 = tpu.memref_slice %arg8[%dma_start3A_498] : memref<4x!tpu.dma_semaphore, #tpu.memory_space<semaphore_mem>> -> memref<1x!tpu.dma_semaphore, #tpu.memory_space<semaphore_mem>>
    %dma_start3A_509 = tpu.memref_squeeze %dma_start3A_508 : memref<1x!tpu.dma_semaphore, #tpu.memory_space<semaphore_mem>> -> memref<!tpu.dma_semaphore, #tpu.memory_space<semaphore_mem>>
    tpu.enqueue_indirect_dma source(%dma_start3A_507 : memref<100000x128xf32, #tpu.memory_space<hbm>>) target(%dma_start3A_502 : memref<192x128xf32, #tpu.memory_space<vmem>>) offsets(%dma_start3A_504 : memref<192xi32, #tpu.memory_space<vmem>>) semaphore(%dma_start3A_509 : memref<!tpu.dma_semaphore, #tpu.memory_space<semaphore_mem>>)
    %dma_wait3A_510 = arith.constant 0 : i32
    %dma_wait3A_511 = arith.constant 0 : i32
    %dma_wait3A_512 = arith.constant 0 : i32
    %dma_wait3A_513 = arith.constant 0 : i32
    %dma_wait3A_514 = tpu.memref_slice %arg6[%dma_wait3A_510, %dma_wait3A_512, %dma_wait3A_513] : memref<4x192x128xf32, #tpu.memory_space<vmem>> -> memref<1x192x128xf32, #tpu.memory_space<vmem>>
    %dma_wait3A_515 = tpu.memref_squeeze %dma_wait3A_514 : memref<1x192x128xf32, #tpu.memory_space<vmem>> -> memref<192x128xf32, #tpu.memory_space<vmem>>
    %dma_wait3A_516 = arith.constant 1536 : i32
    %dma_wait3A_517 = tpu.memref_slice %arg5[%dma_wait3A_516] : memref<3128xi32, #tpu.memory_space<vmem>> -> memref<192xi32, #tpu.memory_space<vmem>>
    %dma_wait3A_518 = arith.constant 0 : i32
    %dma_wait3A_519 = arith.constant 0 : i32
    %dma_wait3A_520 = tpu.memref_slice %arg3[%dma_wait3A_518, %dma_wait3A_519] : memref<100000x128xf32, #tpu.memory_space<hbm>> -> memref<100000x128xf32, #tpu.memory_space<hbm>>
    %dma_wait3A_521 = tpu.memref_slice %arg8[%dma_wait3A_511] : memref<4x!tpu.dma_semaphore, #tpu.memory_space<semaphore_mem>> -> memref<1x!tpu.dma_semaphore, #tpu.memory_space<semaphore_mem>>
    %dma_wait3A_522 = tpu.memref_squeeze %dma_wait3A_521 : memref<1x!tpu.dma_semaphore, #tpu.memory_space<semaphore_mem>> -> memref<!tpu.dma_semaphore, #tpu.memory_space<semaphore_mem>>
    tpu.wait_indirect_dma semaphore(%dma_wait3A_522 : memref<!tpu.dma_semaphore, #tpu.memory_space<semaphore_mem>>) src(%dma_wait3A_520 : memref<100000x128xf32, #tpu.memory_space<hbm>>) dst(%dma_wait3A_515 : memref<192x128xf32, #tpu.memory_space<vmem>>)
    %add3A_523 = arith.constant 1536 : i32
    %add3A_524 = arith.addi %multiple_of3A, %add3A_523 : i32
    %dma_start3A_525 = arith.constant 0 : i32
    %dma_start3A_526 = arith.constant 0 : i32
    %dma_start3A_527 = arith.constant 0 : i32
    %dma_start3A_528 = arith.constant 0 : i32
    %dma_start3A_529 = tpu.memref_slice %arg6[%dma_start3A_525, %dma_start3A_527, %dma_start3A_528] : memref<4x192x128xf32, #tpu.memory_space<vmem>> -> memref<1x192x128xf32, #tpu.memory_space<vmem>>
    %dma_start3A_530 = tpu.memref_squeeze %dma_start3A_529 : memref<1x192x128xf32, #tpu.memory_space<vmem>> -> memref<192x128xf32, #tpu.memory_space<vmem>>
    %dma_start3A_531 = arith.constant 0 : i32
    %dma_start3A_532 = tpu.memref_slice %arg4[%add3A_524, %dma_start3A_531] : memref<100000x128xf32, #tpu.memory_space<hbm>> -> memref<192x128xf32, #tpu.memory_space<hbm>>
    %dma_start3A_533 = tpu.memref_slice %arg9[%dma_start3A_526] : memref<4x!tpu.dma_semaphore, #tpu.memory_space<semaphore_mem>> -> memref<1x!tpu.dma_semaphore, #tpu.memory_space<semaphore_mem>>
    %dma_start3A_534 = tpu.memref_squeeze %dma_start3A_533 : memref<1x!tpu.dma_semaphore, #tpu.memory_space<semaphore_mem>> -> memref<!tpu.dma_semaphore, #tpu.memory_space<semaphore_mem>>
    %dma_start3A_535 = arith.constant 0 : i32
    %dma_start3A_536 = tpu.memref_slice %arg4[%add3A_524, %dma_start3A_535] : memref<100000x128xf32, #tpu.memory_space<hbm>> -> memref<192x128xf32, #tpu.memory_space<hbm>>
    %dma_start3A_537 = arith.constant 0 : i32
    %dma_start3A_538 = arith.constant 0 : i32
    %dma_start3A_539 = tpu.memref_slice %arg6[%dma_start3A_525, %dma_start3A_537, %dma_start3A_538] : memref<4x192x128xf32, #tpu.memory_space<vmem>> -> memref<1x192x128xf32, #tpu.memory_space<vmem>>
    %dma_start3A_540 = tpu.memref_squeeze %dma_start3A_539 : memref<1x192x128xf32, #tpu.memory_space<vmem>> -> memref<192x128xf32, #tpu.memory_space<vmem>>
    tpu.enqueue_dma source(%dma_start3A_540 : memref<192x128xf32, #tpu.memory_space<vmem>>) target(%dma_start3A_536 : memref<192x128xf32, #tpu.memory_space<hbm>>) target_semaphore(%dma_start3A_534 : memref<!tpu.dma_semaphore, #tpu.memory_space<semaphore_mem>>)
    %dma_wait3A_541 = arith.constant 3 : i32
    %dma_wait3A_542 = arith.constant 3 : i32
    %dma_wait3A_543 = arith.constant 0 : i32
    %dma_wait3A_544 = arith.constant 0 : i32
    %dma_wait3A_545 = tpu.memref_slice %arg6[%dma_wait3A_541, %dma_wait3A_543, %dma_wait3A_544] : memref<4x192x128xf32, #tpu.memory_space<vmem>> -> memref<1x192x128xf32, #tpu.memory_space<vmem>>
    %dma_wait3A_546 = tpu.memref_squeeze %dma_wait3A_545 : memref<1x192x128xf32, #tpu.memory_space<vmem>> -> memref<192x128xf32, #tpu.memory_space<vmem>>
    %dma_wait3A_547 = arith.constant 0 : i32
    %dma_wait3A_548 = tpu.memref_slice %arg4[%add3A_464, %dma_wait3A_547] : memref<100000x128xf32, #tpu.memory_space<hbm>> -> memref<192x128xf32, #tpu.memory_space<hbm>>
    %dma_wait3A_549 = tpu.memref_slice %arg9[%dma_wait3A_542] : memref<4x!tpu.dma_semaphore, #tpu.memory_space<semaphore_mem>> -> memref<1x!tpu.dma_semaphore, #tpu.memory_space<semaphore_mem>>
    %dma_wait3A_550 = tpu.memref_squeeze %dma_wait3A_549 : memref<1x!tpu.dma_semaphore, #tpu.memory_space<semaphore_mem>> -> memref<!tpu.dma_semaphore, #tpu.memory_space<semaphore_mem>>
    %dma_wait3A_551 = arith.constant 0 : i32
    %dma_wait3A_552 = tpu.memref_slice %arg4[%add3A_464, %dma_wait3A_551] : memref<100000x128xf32, #tpu.memory_space<hbm>> -> memref<192x128xf32, #tpu.memory_space<hbm>>
    %dma_wait3A_553 = arith.constant 0 : i32
    %dma_wait3A_554 = arith.constant 0 : i32
    %dma_wait3A_555 = tpu.memref_slice %arg6[%dma_wait3A_541, %dma_wait3A_553, %dma_wait3A_554] : memref<4x192x128xf32, #tpu.memory_space<vmem>> -> memref<1x192x128xf32, #tpu.memory_space<vmem>>
    %dma_wait3A_556 = tpu.memref_squeeze %dma_wait3A_555 : memref<1x192x128xf32, #tpu.memory_space<vmem>> -> memref<192x128xf32, #tpu.memory_space<vmem>>
    tpu.wait_dma2 semaphore(%dma_wait3A_550 : memref<!tpu.dma_semaphore, #tpu.memory_space<semaphore_mem>>) src(%dma_wait3A_556 : memref<192x128xf32, #tpu.memory_space<vmem>>) dst(%dma_wait3A_552 : memref<192x128xf32, #tpu.memory_space<hbm>>)
    %dma_start3A_557 = arith.constant 3 : i32
    %dma_start3A_558 = arith.constant 3 : i32
    %dma_start3A_559 = arith.constant 0 : i32
    %dma_start3A_560 = arith.constant 0 : i32
    %dma_start3A_561 = tpu.memref_slice %arg6[%dma_start3A_557, %dma_start3A_559, %dma_start3A_560] : memref<4x192x128xf32, #tpu.memory_space<vmem>> -> memref<1x192x128xf32, #tpu.memory_space<vmem>>
    %dma_start3A_562 = tpu.memref_squeeze %dma_start3A_561 : memref<1x192x128xf32, #tpu.memory_space<vmem>> -> memref<192x128xf32, #tpu.memory_space<vmem>>
    %dma_start3A_563 = arith.constant 2112 : i32
    %dma_start3A_564 = tpu.memref_slice %arg5[%dma_start3A_563] : memref<3128xi32, #tpu.memory_space<vmem>> -> memref<192xi32, #tpu.memory_space<vmem>>
    %dma_start3A_565 = arith.constant 0 : i32
    %dma_start3A_566 = arith.constant 0 : i32
    %dma_start3A_567 = tpu.memref_slice %arg3[%dma_start3A_565, %dma_start3A_566] : memref<100000x128xf32, #tpu.memory_space<hbm>> -> memref<100000x128xf32, #tpu.memory_space<hbm>>
    %dma_start3A_568 = tpu.memref_slice %arg8[%dma_start3A_558] : memref<4x!tpu.dma_semaphore, #tpu.memory_space<semaphore_mem>> -> memref<1x!tpu.dma_semaphore, #tpu.memory_space<semaphore_mem>>
    %dma_start3A_569 = tpu.memref_squeeze %dma_start3A_568 : memref<1x!tpu.dma_semaphore, #tpu.memory_space<semaphore_mem>> -> memref<!tpu.dma_semaphore, #tpu.memory_space<semaphore_mem>>
    tpu.enqueue_indirect_dma source(%dma_start3A_567 : memref<100000x128xf32, #tpu.memory_space<hbm>>) target(%dma_start3A_562 : memref<192x128xf32, #tpu.memory_space<vmem>>) offsets(%dma_start3A_564 : memref<192xi32, #tpu.memory_space<vmem>>) semaphore(%dma_start3A_569 : memref<!tpu.dma_semaphore, #tpu.memory_space<semaphore_mem>>)
    %dma_wait3A_570 = arith.constant 1 : i32
    %dma_wait3A_571 = arith.constant 1 : i32
    %dma_wait3A_572 = arith.constant 0 : i32
    %dma_wait3A_573 = arith.constant 0 : i32
    %dma_wait3A_574 = tpu.memref_slice %arg6[%dma_wait3A_570, %dma_wait3A_572, %dma_wait3A_573] : memref<4x192x128xf32, #tpu.memory_space<vmem>> -> memref<1x192x128xf32, #tpu.memory_space<vmem>>
    %dma_wait3A_575 = tpu.memref_squeeze %dma_wait3A_574 : memref<1x192x128xf32, #tpu.memory_space<vmem>> -> memref<192x128xf32, #tpu.memory_space<vmem>>
    %dma_wait3A_576 = arith.constant 1728 : i32
    %dma_wait3A_577 = tpu.memref_slice %arg5[%dma_wait3A_576] : memref<3128xi32, #tpu.memory_space<vmem>> -> memref<192xi32, #tpu.memory_space<vmem>>
    %dma_wait3A_578 = arith.constant 0 : i32
    %dma_wait3A_579 = arith.constant 0 : i32
    %dma_wait3A_580 = tpu.memref_slice %arg3[%dma_wait3A_578, %dma_wait3A_579] : memref<100000x128xf32, #tpu.memory_space<hbm>> -> memref<100000x128xf32, #tpu.memory_space<hbm>>
    %dma_wait3A_581 = tpu.memref_slice %arg8[%dma_wait3A_571] : memref<4x!tpu.dma_semaphore, #tpu.memory_space<semaphore_mem>> -> memref<1x!tpu.dma_semaphore, #tpu.memory_space<semaphore_mem>>
    %dma_wait3A_582 = tpu.memref_squeeze %dma_wait3A_581 : memref<1x!tpu.dma_semaphore, #tpu.memory_space<semaphore_mem>> -> memref<!tpu.dma_semaphore, #tpu.memory_space<semaphore_mem>>
    tpu.wait_indirect_dma semaphore(%dma_wait3A_582 : memref<!tpu.dma_semaphore, #tpu.memory_space<semaphore_mem>>) src(%dma_wait3A_580 : memref<100000x128xf32, #tpu.memory_space<hbm>>) dst(%dma_wait3A_575 : memref<192x128xf32, #tpu.memory_space<vmem>>)
    %add3A_583 = arith.constant 1728 : i32
    %add3A_584 = arith.addi %multiple_of3A, %add3A_583 : i32
    %dma_start3A_585 = arith.constant 1 : i32
    %dma_start3A_586 = arith.constant 1 : i32
    %dma_start3A_587 = arith.constant 0 : i32
    %dma_start3A_588 = arith.constant 0 : i32
    %dma_start3A_589 = tpu.memref_slice %arg6[%dma_start3A_585, %dma_start3A_587, %dma_start3A_588] : memref<4x192x128xf32, #tpu.memory_space<vmem>> -> memref<1x192x128xf32, #tpu.memory_space<vmem>>
    %dma_start3A_590 = tpu.memref_squeeze %dma_start3A_589 : memref<1x192x128xf32, #tpu.memory_space<vmem>> -> memref<192x128xf32, #tpu.memory_space<vmem>>
    %dma_start3A_591 = arith.constant 0 : i32
    %dma_start3A_592 = tpu.memref_slice %arg4[%add3A_584, %dma_start3A_591] : memref<100000x128xf32, #tpu.memory_space<hbm>> -> memref<192x128xf32, #tpu.memory_space<hbm>>
    %dma_start3A_593 = tpu.memref_slice %arg9[%dma_start3A_586] : memref<4x!tpu.dma_semaphore, #tpu.memory_space<semaphore_mem>> -> memref<1x!tpu.dma_semaphore, #tpu.memory_space<semaphore_mem>>
    %dma_start3A_594 = tpu.memref_squeeze %dma_start3A_593 : memref<1x!tpu.dma_semaphore, #tpu.memory_space<semaphore_mem>> -> memref<!tpu.dma_semaphore, #tpu.memory_space<semaphore_mem>>
    %dma_start3A_595 = arith.constant 0 : i32
    %dma_start3A_596 = tpu.memref_slice %arg4[%add3A_584, %dma_start3A_595] : memref<100000x128xf32, #tpu.memory_space<hbm>> -> memref<192x128xf32, #tpu.memory_space<hbm>>
    %dma_start3A_597 = arith.constant 0 : i32
    %dma_start3A_598 = arith.constant 0 : i32
    %dma_start3A_599 = tpu.memref_slice %arg6[%dma_start3A_585, %dma_start3A_597, %dma_start3A_598] : memref<4x192x128xf32, #tpu.memory_space<vmem>> -> memref<1x192x128xf32, #tpu.memory_space<vmem>>
    %dma_start3A_600 = tpu.memref_squeeze %dma_start3A_599 : memref<1x192x128xf32, #tpu.memory_space<vmem>> -> memref<192x128xf32, #tpu.memory_space<vmem>>
    tpu.enqueue_dma source(%dma_start3A_600 : memref<192x128xf32, #tpu.memory_space<vmem>>) target(%dma_start3A_596 : memref<192x128xf32, #tpu.memory_space<hbm>>) target_semaphore(%dma_start3A_594 : memref<!tpu.dma_semaphore, #tpu.memory_space<semaphore_mem>>)
    %dma_wait3A_601 = arith.constant 0 : i32
    %dma_wait3A_602 = arith.constant 0 : i32
    %dma_wait3A_603 = arith.constant 0 : i32
    %dma_wait3A_604 = arith.constant 0 : i32
    %dma_wait3A_605 = tpu.memref_slice %arg6[%dma_wait3A_601, %dma_wait3A_603, %dma_wait3A_604] : memref<4x192x128xf32, #tpu.memory_space<vmem>> -> memref<1x192x128xf32, #tpu.memory_space<vmem>>
    %dma_wait3A_606 = tpu.memref_squeeze %dma_wait3A_605 : memref<1x192x128xf32, #tpu.memory_space<vmem>> -> memref<192x128xf32, #tpu.memory_space<vmem>>
    %dma_wait3A_607 = arith.constant 0 : i32
    %dma_wait3A_608 = tpu.memref_slice %arg4[%add3A_524, %dma_wait3A_607] : memref<100000x128xf32, #tpu.memory_space<hbm>> -> memref<192x128xf32, #tpu.memory_space<hbm>>
    %dma_wait3A_609 = tpu.memref_slice %arg9[%dma_wait3A_602] : memref<4x!tpu.dma_semaphore, #tpu.memory_space<semaphore_mem>> -> memref<1x!tpu.dma_semaphore, #tpu.memory_space<semaphore_mem>>
    %dma_wait3A_610 = tpu.memref_squeeze %dma_wait3A_609 : memref<1x!tpu.dma_semaphore, #tpu.memory_space<semaphore_mem>> -> memref<!tpu.dma_semaphore, #tpu.memory_space<semaphore_mem>>
    %dma_wait3A_611 = arith.constant 0 : i32
    %dma_wait3A_612 = tpu.memref_slice %arg4[%add3A_524, %dma_wait3A_611] : memref<100000x128xf32, #tpu.memory_space<hbm>> -> memref<192x128xf32, #tpu.memory_space<hbm>>
    %dma_wait3A_613 = arith.constant 0 : i32
    %dma_wait3A_614 = arith.constant 0 : i32
    %dma_wait3A_615 = tpu.memref_slice %arg6[%dma_wait3A_601, %dma_wait3A_613, %dma_wait3A_614] : memref<4x192x128xf32, #tpu.memory_space<vmem>> -> memref<1x192x128xf32, #tpu.memory_space<vmem>>
    %dma_wait3A_616 = tpu.memref_squeeze %dma_wait3A_615 : memref<1x192x128xf32, #tpu.memory_space<vmem>> -> memref<192x128xf32, #tpu.memory_space<vmem>>
    tpu.wait_dma2 semaphore(%dma_wait3A_610 : memref<!tpu.dma_semaphore, #tpu.memory_space<semaphore_mem>>) src(%dma_wait3A_616 : memref<192x128xf32, #tpu.memory_space<vmem>>) dst(%dma_wait3A_612 : memref<192x128xf32, #tpu.memory_space<hbm>>)
    %dma_start3A_617 = arith.constant 0 : i32
    %dma_start3A_618 = arith.constant 0 : i32
    %dma_start3A_619 = arith.constant 0 : i32
    %dma_start3A_620 = arith.constant 0 : i32
    %dma_start3A_621 = tpu.memref_slice %arg6[%dma_start3A_617, %dma_start3A_619, %dma_start3A_620] : memref<4x192x128xf32, #tpu.memory_space<vmem>> -> memref<1x192x128xf32, #tpu.memory_space<vmem>>
    %dma_start3A_622 = tpu.memref_squeeze %dma_start3A_621 : memref<1x192x128xf32, #tpu.memory_space<vmem>> -> memref<192x128xf32, #tpu.memory_space<vmem>>
    %dma_start3A_623 = arith.constant 2304 : i32
    %dma_start3A_624 = tpu.memref_slice %arg5[%dma_start3A_623] : memref<3128xi32, #tpu.memory_space<vmem>> -> memref<192xi32, #tpu.memory_space<vmem>>
    %dma_start3A_625 = arith.constant 0 : i32
    %dma_start3A_626 = arith.constant 0 : i32
    %dma_start3A_627 = tpu.memref_slice %arg3[%dma_start3A_625, %dma_start3A_626] : memref<100000x128xf32, #tpu.memory_space<hbm>> -> memref<100000x128xf32, #tpu.memory_space<hbm>>
    %dma_start3A_628 = tpu.memref_slice %arg8[%dma_start3A_618] : memref<4x!tpu.dma_semaphore, #tpu.memory_space<semaphore_mem>> -> memref<1x!tpu.dma_semaphore, #tpu.memory_space<semaphore_mem>>
    %dma_start3A_629 = tpu.memref_squeeze %dma_start3A_628 : memref<1x!tpu.dma_semaphore, #tpu.memory_space<semaphore_mem>> -> memref<!tpu.dma_semaphore, #tpu.memory_space<semaphore_mem>>
    tpu.enqueue_indirect_dma source(%dma_start3A_627 : memref<100000x128xf32, #tpu.memory_space<hbm>>) target(%dma_start3A_622 : memref<192x128xf32, #tpu.memory_space<vmem>>) offsets(%dma_start3A_624 : memref<192xi32, #tpu.memory_space<vmem>>) semaphore(%dma_start3A_629 : memref<!tpu.dma_semaphore, #tpu.memory_space<semaphore_mem>>)
    %dma_wait3A_630 = arith.constant 2 : i32
    %dma_wait3A_631 = arith.constant 2 : i32
    %dma_wait3A_632 = arith.constant 0 : i32
    %dma_wait3A_633 = arith.constant 0 : i32
    %dma_wait3A_634 = tpu.memref_slice %arg6[%dma_wait3A_630, %dma_wait3A_632, %dma_wait3A_633] : memref<4x192x128xf32, #tpu.memory_space<vmem>> -> memref<1x192x128xf32, #tpu.memory_space<vmem>>
    %dma_wait3A_635 = tpu.memref_squeeze %dma_wait3A_634 : memref<1x192x128xf32, #tpu.memory_space<vmem>> -> memref<192x128xf32, #tpu.memory_space<vmem>>
    %dma_wait3A_636 = arith.constant 1920 : i32
    %dma_wait3A_637 = tpu.memref_slice %arg5[%dma_wait3A_636] : memref<3128xi32, #tpu.memory_space<vmem>> -> memref<192xi32, #tpu.memory_space<vmem>>
    %dma_wait3A_638 = arith.constant 0 : i32
    %dma_wait3A_639 = arith.constant 0 : i32
    %dma_wait3A_640 = tpu.memref_slice %arg3[%dma_wait3A_638, %dma_wait3A_639] : memref<100000x128xf32, #tpu.memory_space<hbm>> -> memref<100000x128xf32, #tpu.memory_space<hbm>>
    %dma_wait3A_641 = tpu.memref_slice %arg8[%dma_wait3A_631] : memref<4x!tpu.dma_semaphore, #tpu.memory_space<semaphore_mem>> -> memref<1x!tpu.dma_semaphore, #tpu.memory_space<semaphore_mem>>
    %dma_wait3A_642 = tpu.memref_squeeze %dma_wait3A_641 : memref<1x!tpu.dma_semaphore, #tpu.memory_space<semaphore_mem>> -> memref<!tpu.dma_semaphore, #tpu.memory_space<semaphore_mem>>
    tpu.wait_indirect_dma semaphore(%dma_wait3A_642 : memref<!tpu.dma_semaphore, #tpu.memory_space<semaphore_mem>>) src(%dma_wait3A_640 : memref<100000x128xf32, #tpu.memory_space<hbm>>) dst(%dma_wait3A_635 : memref<192x128xf32, #tpu.memory_space<vmem>>)
    %add3A_643 = arith.constant 1920 : i32
    %add3A_644 = arith.addi %multiple_of3A, %add3A_643 : i32
    %dma_start3A_645 = arith.constant 2 : i32
    %dma_start3A_646 = arith.constant 2 : i32
    %dma_start3A_647 = arith.constant 0 : i32
    %dma_start3A_648 = arith.constant 0 : i32
    %dma_start3A_649 = tpu.memref_slice %arg6[%dma_start3A_645, %dma_start3A_647, %dma_start3A_648] : memref<4x192x128xf32, #tpu.memory_space<vmem>> -> memref<1x192x128xf32, #tpu.memory_space<vmem>>
    %dma_start3A_650 = tpu.memref_squeeze %dma_start3A_649 : memref<1x192x128xf32, #tpu.memory_space<vmem>> -> memref<192x128xf32, #tpu.memory_space<vmem>>
    %dma_start3A_651 = arith.constant 0 : i32
    %dma_start3A_652 = tpu.memref_slice %arg4[%add3A_644, %dma_start3A_651] : memref<100000x128xf32, #tpu.memory_space<hbm>> -> memref<192x128xf32, #tpu.memory_space<hbm>>
    %dma_start3A_653 = tpu.memref_slice %arg9[%dma_start3A_646] : memref<4x!tpu.dma_semaphore, #tpu.memory_space<semaphore_mem>> -> memref<1x!tpu.dma_semaphore, #tpu.memory_space<semaphore_mem>>
    %dma_start3A_654 = tpu.memref_squeeze %dma_start3A_653 : memref<1x!tpu.dma_semaphore, #tpu.memory_space<semaphore_mem>> -> memref<!tpu.dma_semaphore, #tpu.memory_space<semaphore_mem>>
    %dma_start3A_655 = arith.constant 0 : i32
    %dma_start3A_656 = tpu.memref_slice %arg4[%add3A_644, %dma_start3A_655] : memref<100000x128xf32, #tpu.memory_space<hbm>> -> memref<192x128xf32, #tpu.memory_space<hbm>>
    %dma_start3A_657 = arith.constant 0 : i32
    %dma_start3A_658 = arith.constant 0 : i32
    %dma_start3A_659 = tpu.memref_slice %arg6[%dma_start3A_645, %dma_start3A_657, %dma_start3A_658] : memref<4x192x128xf32, #tpu.memory_space<vmem>> -> memref<1x192x128xf32, #tpu.memory_space<vmem>>
    %dma_start3A_660 = tpu.memref_squeeze %dma_start3A_659 : memref<1x192x128xf32, #tpu.memory_space<vmem>> -> memref<192x128xf32, #tpu.memory_space<vmem>>
    tpu.enqueue_dma source(%dma_start3A_660 : memref<192x128xf32, #tpu.memory_space<vmem>>) target(%dma_start3A_656 : memref<192x128xf32, #tpu.memory_space<hbm>>) target_semaphore(%dma_start3A_654 : memref<!tpu.dma_semaphore, #tpu.memory_space<semaphore_mem>>)
    %dma_wait3A_661 = arith.constant 1 : i32
    %dma_wait3A_662 = arith.constant 1 : i32
    %dma_wait3A_663 = arith.constant 0 : i32
    %dma_wait3A_664 = arith.constant 0 : i32
    %dma_wait3A_665 = tpu.memref_slice %arg6[%dma_wait3A_661, %dma_wait3A_663, %dma_wait3A_664] : memref<4x192x128xf32, #tpu.memory_space<vmem>> -> memref<1x192x128xf32, #tpu.memory_space<vmem>>
    %dma_wait3A_666 = tpu.memref_squeeze %dma_wait3A_665 : memref<1x192x128xf32, #tpu.memory_space<vmem>> -> memref<192x128xf32, #tpu.memory_space<vmem>>
    %dma_wait3A_667 = arith.constant 0 : i32
    %dma_wait3A_668 = tpu.memref_slice %arg4[%add3A_584, %dma_wait3A_667] : memref<100000x128xf32, #tpu.memory_space<hbm>> -> memref<192x128xf32, #tpu.memory_space<hbm>>
    %dma_wait3A_669 = tpu.memref_slice %arg9[%dma_wait3A_662] : memref<4x!tpu.dma_semaphore, #tpu.memory_space<semaphore_mem>> -> memref<1x!tpu.dma_semaphore, #tpu.memory_space<semaphore_mem>>
    %dma_wait3A_670 = tpu.memref_squeeze %dma_wait3A_669 : memref<1x!tpu.dma_semaphore, #tpu.memory_space<semaphore_mem>> -> memref<!tpu.dma_semaphore, #tpu.memory_space<semaphore_mem>>
    %dma_wait3A_671 = arith.constant 0 : i32
    %dma_wait3A_672 = tpu.memref_slice %arg4[%add3A_584, %dma_wait3A_671] : memref<100000x128xf32, #tpu.memory_space<hbm>> -> memref<192x128xf32, #tpu.memory_space<hbm>>
    %dma_wait3A_673 = arith.constant 0 : i32
    %dma_wait3A_674 = arith.constant 0 : i32
    %dma_wait3A_675 = tpu.memref_slice %arg6[%dma_wait3A_661, %dma_wait3A_673, %dma_wait3A_674] : memref<4x192x128xf32, #tpu.memory_space<vmem>> -> memref<1x192x128xf32, #tpu.memory_space<vmem>>
    %dma_wait3A_676 = tpu.memref_squeeze %dma_wait3A_675 : memref<1x192x128xf32, #tpu.memory_space<vmem>> -> memref<192x128xf32, #tpu.memory_space<vmem>>
    tpu.wait_dma2 semaphore(%dma_wait3A_670 : memref<!tpu.dma_semaphore, #tpu.memory_space<semaphore_mem>>) src(%dma_wait3A_676 : memref<192x128xf32, #tpu.memory_space<vmem>>) dst(%dma_wait3A_672 : memref<192x128xf32, #tpu.memory_space<hbm>>)
    %dma_start3A_677 = arith.constant 1 : i32
    %dma_start3A_678 = arith.constant 1 : i32
    %dma_start3A_679 = arith.constant 0 : i32
    %dma_start3A_680 = arith.constant 0 : i32
    %dma_start3A_681 = tpu.memref_slice %arg6[%dma_start3A_677, %dma_start3A_679, %dma_start3A_680] : memref<4x192x128xf32, #tpu.memory_space<vmem>> -> memref<1x192x128xf32, #tpu.memory_space<vmem>>
    %dma_start3A_682 = tpu.memref_squeeze %dma_start3A_681 : memref<1x192x128xf32, #tpu.memory_space<vmem>> -> memref<192x128xf32, #tpu.memory_space<vmem>>
    %dma_start3A_683 = arith.constant 2496 : i32
    %dma_start3A_684 = tpu.memref_slice %arg5[%dma_start3A_683] : memref<3128xi32, #tpu.memory_space<vmem>> -> memref<192xi32, #tpu.memory_space<vmem>>
    %dma_start3A_685 = arith.constant 0 : i32
    %dma_start3A_686 = arith.constant 0 : i32
    %dma_start3A_687 = tpu.memref_slice %arg3[%dma_start3A_685, %dma_start3A_686] : memref<100000x128xf32, #tpu.memory_space<hbm>> -> memref<100000x128xf32, #tpu.memory_space<hbm>>
    %dma_start3A_688 = tpu.memref_slice %arg8[%dma_start3A_678] : memref<4x!tpu.dma_semaphore, #tpu.memory_space<semaphore_mem>> -> memref<1x!tpu.dma_semaphore, #tpu.memory_space<semaphore_mem>>
    %dma_start3A_689 = tpu.memref_squeeze %dma_start3A_688 : memref<1x!tpu.dma_semaphore, #tpu.memory_space<semaphore_mem>> -> memref<!tpu.dma_semaphore, #tpu.memory_space<semaphore_mem>>
    tpu.enqueue_indirect_dma source(%dma_start3A_687 : memref<100000x128xf32, #tpu.memory_space<hbm>>) target(%dma_start3A_682 : memref<192x128xf32, #tpu.memory_space<vmem>>) offsets(%dma_start3A_684 : memref<192xi32, #tpu.memory_space<vmem>>) semaphore(%dma_start3A_689 : memref<!tpu.dma_semaphore, #tpu.memory_space<semaphore_mem>>)
    %dma_wait3A_690 = arith.constant 3 : i32
    %dma_wait3A_691 = arith.constant 3 : i32
    %dma_wait3A_692 = arith.constant 0 : i32
    %dma_wait3A_693 = arith.constant 0 : i32
    %dma_wait3A_694 = tpu.memref_slice %arg6[%dma_wait3A_690, %dma_wait3A_692, %dma_wait3A_693] : memref<4x192x128xf32, #tpu.memory_space<vmem>> -> memref<1x192x128xf32, #tpu.memory_space<vmem>>
    %dma_wait3A_695 = tpu.memref_squeeze %dma_wait3A_694 : memref<1x192x128xf32, #tpu.memory_space<vmem>> -> memref<192x128xf32, #tpu.memory_space<vmem>>
    %dma_wait3A_696 = arith.constant 2112 : i32
    %dma_wait3A_697 = tpu.memref_slice %arg5[%dma_wait3A_696] : memref<3128xi32, #tpu.memory_space<vmem>> -> memref<192xi32, #tpu.memory_space<vmem>>
    %dma_wait3A_698 = arith.constant 0 : i32
    %dma_wait3A_699 = arith.constant 0 : i32
    %dma_wait3A_700 = tpu.memref_slice %arg3[%dma_wait3A_698, %dma_wait3A_699] : memref<100000x128xf32, #tpu.memory_space<hbm>> -> memref<100000x128xf32, #tpu.memory_space<hbm>>
    %dma_wait3A_701 = tpu.memref_slice %arg8[%dma_wait3A_691] : memref<4x!tpu.dma_semaphore, #tpu.memory_space<semaphore_mem>> -> memref<1x!tpu.dma_semaphore, #tpu.memory_space<semaphore_mem>>
    %dma_wait3A_702 = tpu.memref_squeeze %dma_wait3A_701 : memref<1x!tpu.dma_semaphore, #tpu.memory_space<semaphore_mem>> -> memref<!tpu.dma_semaphore, #tpu.memory_space<semaphore_mem>>
    tpu.wait_indirect_dma semaphore(%dma_wait3A_702 : memref<!tpu.dma_semaphore, #tpu.memory_space<semaphore_mem>>) src(%dma_wait3A_700 : memref<100000x128xf32, #tpu.memory_space<hbm>>) dst(%dma_wait3A_695 : memref<192x128xf32, #tpu.memory_space<vmem>>)
    %add3A_703 = arith.constant 2112 : i32
    %add3A_704 = arith.addi %multiple_of3A, %add3A_703 : i32
    %dma_start3A_705 = arith.constant 3 : i32
    %dma_start3A_706 = arith.constant 3 : i32
    %dma_start3A_707 = arith.constant 0 : i32
    %dma_start3A_708 = arith.constant 0 : i32
    %dma_start3A_709 = tpu.memref_slice %arg6[%dma_start3A_705, %dma_start3A_707, %dma_start3A_708] : memref<4x192x128xf32, #tpu.memory_space<vmem>> -> memref<1x192x128xf32, #tpu.memory_space<vmem>>
    %dma_start3A_710 = tpu.memref_squeeze %dma_start3A_709 : memref<1x192x128xf32, #tpu.memory_space<vmem>> -> memref<192x128xf32, #tpu.memory_space<vmem>>
    %dma_start3A_711 = arith.constant 0 : i32
    %dma_start3A_712 = tpu.memref_slice %arg4[%add3A_704, %dma_start3A_711] : memref<100000x128xf32, #tpu.memory_space<hbm>> -> memref<192x128xf32, #tpu.memory_space<hbm>>
    %dma_start3A_713 = tpu.memref_slice %arg9[%dma_start3A_706] : memref<4x!tpu.dma_semaphore, #tpu.memory_space<semaphore_mem>> -> memref<1x!tpu.dma_semaphore, #tpu.memory_space<semaphore_mem>>
    %dma_start3A_714 = tpu.memref_squeeze %dma_start3A_713 : memref<1x!tpu.dma_semaphore, #tpu.memory_space<semaphore_mem>> -> memref<!tpu.dma_semaphore, #tpu.memory_space<semaphore_mem>>
    %dma_start3A_715 = arith.constant 0 : i32
    %dma_start3A_716 = tpu.memref_slice %arg4[%add3A_704, %dma_start3A_715] : memref<100000x128xf32, #tpu.memory_space<hbm>> -> memref<192x128xf32, #tpu.memory_space<hbm>>
    %dma_start3A_717 = arith.constant 0 : i32
    %dma_start3A_718 = arith.constant 0 : i32
    %dma_start3A_719 = tpu.memref_slice %arg6[%dma_start3A_705, %dma_start3A_717, %dma_start3A_718] : memref<4x192x128xf32, #tpu.memory_space<vmem>> -> memref<1x192x128xf32, #tpu.memory_space<vmem>>
    %dma_start3A_720 = tpu.memref_squeeze %dma_start3A_719 : memref<1x192x128xf32, #tpu.memory_space<vmem>> -> memref<192x128xf32, #tpu.memory_space<vmem>>
    tpu.enqueue_dma source(%dma_start3A_720 : memref<192x128xf32, #tpu.memory_space<vmem>>) target(%dma_start3A_716 : memref<192x128xf32, #tpu.memory_space<hbm>>) target_semaphore(%dma_start3A_714 : memref<!tpu.dma_semaphore, #tpu.memory_space<semaphore_mem>>)
    %dma_wait3A_721 = arith.constant 2 : i32
    %dma_wait3A_722 = arith.constant 2 : i32
    %dma_wait3A_723 = arith.constant 0 : i32
    %dma_wait3A_724 = arith.constant 0 : i32
    %dma_wait3A_725 = tpu.memref_slice %arg6[%dma_wait3A_721, %dma_wait3A_723, %dma_wait3A_724] : memref<4x192x128xf32, #tpu.memory_space<vmem>> -> memref<1x192x128xf32, #tpu.memory_space<vmem>>
    %dma_wait3A_726 = tpu.memref_squeeze %dma_wait3A_725 : memref<1x192x128xf32, #tpu.memory_space<vmem>> -> memref<192x128xf32, #tpu.memory_space<vmem>>
    %dma_wait3A_727 = arith.constant 0 : i32
    %dma_wait3A_728 = tpu.memref_slice %arg4[%add3A_644, %dma_wait3A_727] : memref<100000x128xf32, #tpu.memory_space<hbm>> -> memref<192x128xf32, #tpu.memory_space<hbm>>
    %dma_wait3A_729 = tpu.memref_slice %arg9[%dma_wait3A_722] : memref<4x!tpu.dma_semaphore, #tpu.memory_space<semaphore_mem>> -> memref<1x!tpu.dma_semaphore, #tpu.memory_space<semaphore_mem>>
    %dma_wait3A_730 = tpu.memref_squeeze %dma_wait3A_729 : memref<1x!tpu.dma_semaphore, #tpu.memory_space<semaphore_mem>> -> memref<!tpu.dma_semaphore, #tpu.memory_space<semaphore_mem>>
    %dma_wait3A_731 = arith.constant 0 : i32
    %dma_wait3A_732 = tpu.memref_slice %arg4[%add3A_644, %dma_wait3A_731] : memref<100000x128xf32, #tpu.memory_space<hbm>> -> memref<192x128xf32, #tpu.memory_space<hbm>>
    %dma_wait3A_733 = arith.constant 0 : i32
    %dma_wait3A_734 = arith.constant 0 : i32
    %dma_wait3A_735 = tpu.memref_slice %arg6[%dma_wait3A_721, %dma_wait3A_733, %dma_wait3A_734] : memref<4x192x128xf32, #tpu.memory_space<vmem>> -> memref<1x192x128xf32, #tpu.memory_space<vmem>>
    %dma_wait3A_736 = tpu.memref_squeeze %dma_wait3A_735 : memref<1x192x128xf32, #tpu.memory_space<vmem>> -> memref<192x128xf32, #tpu.memory_space<vmem>>
    tpu.wait_dma2 semaphore(%dma_wait3A_730 : memref<!tpu.dma_semaphore, #tpu.memory_space<semaphore_mem>>) src(%dma_wait3A_736 : memref<192x128xf32, #tpu.memory_space<vmem>>) dst(%dma_wait3A_732 : memref<192x128xf32, #tpu.memory_space<hbm>>)
    %dma_start3A_737 = arith.constant 2 : i32
    %dma_start3A_738 = arith.constant 2 : i32
    %dma_start3A_739 = arith.constant 0 : i32
    %dma_start3A_740 = arith.constant 0 : i32
    %dma_start3A_741 = tpu.memref_slice %arg6[%dma_start3A_737, %dma_start3A_739, %dma_start3A_740] : memref<4x192x128xf32, #tpu.memory_space<vmem>> -> memref<1x192x128xf32, #tpu.memory_space<vmem>>
    %dma_start3A_742 = tpu.memref_squeeze %dma_start3A_741 : memref<1x192x128xf32, #tpu.memory_space<vmem>> -> memref<192x128xf32, #tpu.memory_space<vmem>>
    %dma_start3A_743 = arith.constant 2688 : i32
    %dma_start3A_744 = tpu.memref_slice %arg5[%dma_start3A_743] : memref<3128xi32, #tpu.memory_space<vmem>> -> memref<192xi32, #tpu.memory_space<vmem>>
    %dma_start3A_745 = arith.constant 0 : i32
    %dma_start3A_746 = arith.constant 0 : i32
    %dma_start3A_747 = tpu.memref_slice %arg3[%dma_start3A_745, %dma_start3A_746] : memref<100000x128xf32, #tpu.memory_space<hbm>> -> memref<100000x128xf32, #tpu.memory_space<hbm>>
    %dma_start3A_748 = tpu.memref_slice %arg8[%dma_start3A_738] : memref<4x!tpu.dma_semaphore, #tpu.memory_space<semaphore_mem>> -> memref<1x!tpu.dma_semaphore, #tpu.memory_space<semaphore_mem>>
    %dma_start3A_749 = tpu.memref_squeeze %dma_start3A_748 : memref<1x!tpu.dma_semaphore, #tpu.memory_space<semaphore_mem>> -> memref<!tpu.dma_semaphore, #tpu.memory_space<semaphore_mem>>
    tpu.enqueue_indirect_dma source(%dma_start3A_747 : memref<100000x128xf32, #tpu.memory_space<hbm>>) target(%dma_start3A_742 : memref<192x128xf32, #tpu.memory_space<vmem>>) offsets(%dma_start3A_744 : memref<192xi32, #tpu.memory_space<vmem>>) semaphore(%dma_start3A_749 : memref<!tpu.dma_semaphore, #tpu.memory_space<semaphore_mem>>)
    %dma_wait3A_750 = arith.constant 0 : i32
    %dma_wait3A_751 = arith.constant 0 : i32
    %dma_wait3A_752 = arith.constant 0 : i32
    %dma_wait3A_753 = arith.constant 0 : i32
    %dma_wait3A_754 = tpu.memref_slice %arg6[%dma_wait3A_750, %dma_wait3A_752, %dma_wait3A_753] : memref<4x192x128xf32, #tpu.memory_space<vmem>> -> memref<1x192x128xf32, #tpu.memory_space<vmem>>
    %dma_wait3A_755 = tpu.memref_squeeze %dma_wait3A_754 : memref<1x192x128xf32, #tpu.memory_space<vmem>> -> memref<192x128xf32, #tpu.memory_space<vmem>>
    %dma_wait3A_756 = arith.constant 2304 : i32
    %dma_wait3A_757 = tpu.memref_slice %arg5[%dma_wait3A_756] : memref<3128xi32, #tpu.memory_space<vmem>> -> memref<192xi32, #tpu.memory_space<vmem>>
    %dma_wait3A_758 = arith.constant 0 : i32
    %dma_wait3A_759 = arith.constant 0 : i32
    %dma_wait3A_760 = tpu.memref_slice %arg3[%dma_wait3A_758, %dma_wait3A_759] : memref<100000x128xf32, #tpu.memory_space<hbm>> -> memref<100000x128xf32, #tpu.memory_space<hbm>>
    %dma_wait3A_761 = tpu.memref_slice %arg8[%dma_wait3A_751] : memref<4x!tpu.dma_semaphore, #tpu.memory_space<semaphore_mem>> -> memref<1x!tpu.dma_semaphore, #tpu.memory_space<semaphore_mem>>
    %dma_wait3A_762 = tpu.memref_squeeze %dma_wait3A_761 : memref<1x!tpu.dma_semaphore, #tpu.memory_space<semaphore_mem>> -> memref<!tpu.dma_semaphore, #tpu.memory_space<semaphore_mem>>
    tpu.wait_indirect_dma semaphore(%dma_wait3A_762 : memref<!tpu.dma_semaphore, #tpu.memory_space<semaphore_mem>>) src(%dma_wait3A_760 : memref<100000x128xf32, #tpu.memory_space<hbm>>) dst(%dma_wait3A_755 : memref<192x128xf32, #tpu.memory_space<vmem>>)
    %add3A_763 = arith.constant 2304 : i32
    %add3A_764 = arith.addi %multiple_of3A, %add3A_763 : i32
    %dma_start3A_765 = arith.constant 0 : i32
    %dma_start3A_766 = arith.constant 0 : i32
    %dma_start3A_767 = arith.constant 0 : i32
    %dma_start3A_768 = arith.constant 0 : i32
    %dma_start3A_769 = tpu.memref_slice %arg6[%dma_start3A_765, %dma_start3A_767, %dma_start3A_768] : memref<4x192x128xf32, #tpu.memory_space<vmem>> -> memref<1x192x128xf32, #tpu.memory_space<vmem>>
    %dma_start3A_770 = tpu.memref_squeeze %dma_start3A_769 : memref<1x192x128xf32, #tpu.memory_space<vmem>> -> memref<192x128xf32, #tpu.memory_space<vmem>>
    %dma_start3A_771 = arith.constant 0 : i32
    %dma_start3A_772 = tpu.memref_slice %arg4[%add3A_764, %dma_start3A_771] : memref<100000x128xf32, #tpu.memory_space<hbm>> -> memref<192x128xf32, #tpu.memory_space<hbm>>
    %dma_start3A_773 = tpu.memref_slice %arg9[%dma_start3A_766] : memref<4x!tpu.dma_semaphore, #tpu.memory_space<semaphore_mem>> -> memref<1x!tpu.dma_semaphore, #tpu.memory_space<semaphore_mem>>
    %dma_start3A_774 = tpu.memref_squeeze %dma_start3A_773 : memref<1x!tpu.dma_semaphore, #tpu.memory_space<semaphore_mem>> -> memref<!tpu.dma_semaphore, #tpu.memory_space<semaphore_mem>>
    %dma_start3A_775 = arith.constant 0 : i32
    %dma_start3A_776 = tpu.memref_slice %arg4[%add3A_764, %dma_start3A_775] : memref<100000x128xf32, #tpu.memory_space<hbm>> -> memref<192x128xf32, #tpu.memory_space<hbm>>
    %dma_start3A_777 = arith.constant 0 : i32
    %dma_start3A_778 = arith.constant 0 : i32
    %dma_start3A_779 = tpu.memref_slice %arg6[%dma_start3A_765, %dma_start3A_777, %dma_start3A_778] : memref<4x192x128xf32, #tpu.memory_space<vmem>> -> memref<1x192x128xf32, #tpu.memory_space<vmem>>
    %dma_start3A_780 = tpu.memref_squeeze %dma_start3A_779 : memref<1x192x128xf32, #tpu.memory_space<vmem>> -> memref<192x128xf32, #tpu.memory_space<vmem>>
    tpu.enqueue_dma source(%dma_start3A_780 : memref<192x128xf32, #tpu.memory_space<vmem>>) target(%dma_start3A_776 : memref<192x128xf32, #tpu.memory_space<hbm>>) target_semaphore(%dma_start3A_774 : memref<!tpu.dma_semaphore, #tpu.memory_space<semaphore_mem>>)
    %dma_wait3A_781 = arith.constant 3 : i32
    %dma_wait3A_782 = arith.constant 3 : i32
    %dma_wait3A_783 = arith.constant 0 : i32
    %dma_wait3A_784 = arith.constant 0 : i32
    %dma_wait3A_785 = tpu.memref_slice %arg6[%dma_wait3A_781, %dma_wait3A_783, %dma_wait3A_784] : memref<4x192x128xf32, #tpu.memory_space<vmem>> -> memref<1x192x128xf32, #tpu.memory_space<vmem>>
    %dma_wait3A_786 = tpu.memref_squeeze %dma_wait3A_785 : memref<1x192x128xf32, #tpu.memory_space<vmem>> -> memref<192x128xf32, #tpu.memory_space<vmem>>
    %dma_wait3A_787 = arith.constant 0 : i32
    %dma_wait3A_788 = tpu.memref_slice %arg4[%add3A_704, %dma_wait3A_787] : memref<100000x128xf32, #tpu.memory_space<hbm>> -> memref<192x128xf32, #tpu.memory_space<hbm>>
    %dma_wait3A_789 = tpu.memref_slice %arg9[%dma_wait3A_782] : memref<4x!tpu.dma_semaphore, #tpu.memory_space<semaphore_mem>> -> memref<1x!tpu.dma_semaphore, #tpu.memory_space<semaphore_mem>>
    %dma_wait3A_790 = tpu.memref_squeeze %dma_wait3A_789 : memref<1x!tpu.dma_semaphore, #tpu.memory_space<semaphore_mem>> -> memref<!tpu.dma_semaphore, #tpu.memory_space<semaphore_mem>>
    %dma_wait3A_791 = arith.constant 0 : i32
    %dma_wait3A_792 = tpu.memref_slice %arg4[%add3A_704, %dma_wait3A_791] : memref<100000x128xf32, #tpu.memory_space<hbm>> -> memref<192x128xf32, #tpu.memory_space<hbm>>
    %dma_wait3A_793 = arith.constant 0 : i32
    %dma_wait3A_794 = arith.constant 0 : i32
    %dma_wait3A_795 = tpu.memref_slice %arg6[%dma_wait3A_781, %dma_wait3A_793, %dma_wait3A_794] : memref<4x192x128xf32, #tpu.memory_space<vmem>> -> memref<1x192x128xf32, #tpu.memory_space<vmem>>
    %dma_wait3A_796 = tpu.memref_squeeze %dma_wait3A_795 : memref<1x192x128xf32, #tpu.memory_space<vmem>> -> memref<192x128xf32, #tpu.memory_space<vmem>>
    tpu.wait_dma2 semaphore(%dma_wait3A_790 : memref<!tpu.dma_semaphore, #tpu.memory_space<semaphore_mem>>) src(%dma_wait3A_796 : memref<192x128xf32, #tpu.memory_space<vmem>>) dst(%dma_wait3A_792 : memref<192x128xf32, #tpu.memory_space<hbm>>)
    %dma_start3A_797 = arith.constant 3 : i32
    %dma_start3A_798 = arith.constant 3 : i32
    %dma_start3A_799 = arith.constant 0 : i32
    %dma_start3A_800 = arith.constant 0 : i32
    %dma_start3A_801 = tpu.memref_slice %arg6[%dma_start3A_797, %dma_start3A_799, %dma_start3A_800] : memref<4x192x128xf32, #tpu.memory_space<vmem>> -> memref<1x192x128xf32, #tpu.memory_space<vmem>>
    %dma_start3A_802 = tpu.memref_squeeze %dma_start3A_801 : memref<1x192x128xf32, #tpu.memory_space<vmem>> -> memref<192x128xf32, #tpu.memory_space<vmem>>
    %dma_start3A_803 = arith.constant 2880 : i32
    %dma_start3A_804 = tpu.memref_slice %arg5[%dma_start3A_803] : memref<3128xi32, #tpu.memory_space<vmem>> -> memref<192xi32, #tpu.memory_space<vmem>>
    %dma_start3A_805 = arith.constant 0 : i32
    %dma_start3A_806 = arith.constant 0 : i32
    %dma_start3A_807 = tpu.memref_slice %arg3[%dma_start3A_805, %dma_start3A_806] : memref<100000x128xf32, #tpu.memory_space<hbm>> -> memref<100000x128xf32, #tpu.memory_space<hbm>>
    %dma_start3A_808 = tpu.memref_slice %arg8[%dma_start3A_798] : memref<4x!tpu.dma_semaphore, #tpu.memory_space<semaphore_mem>> -> memref<1x!tpu.dma_semaphore, #tpu.memory_space<semaphore_mem>>
    %dma_start3A_809 = tpu.memref_squeeze %dma_start3A_808 : memref<1x!tpu.dma_semaphore, #tpu.memory_space<semaphore_mem>> -> memref<!tpu.dma_semaphore, #tpu.memory_space<semaphore_mem>>
    tpu.enqueue_indirect_dma source(%dma_start3A_807 : memref<100000x128xf32, #tpu.memory_space<hbm>>) target(%dma_start3A_802 : memref<192x128xf32, #tpu.memory_space<vmem>>) offsets(%dma_start3A_804 : memref<192xi32, #tpu.memory_space<vmem>>) semaphore(%dma_start3A_809 : memref<!tpu.dma_semaphore, #tpu.memory_space<semaphore_mem>>)
    %dma_wait3A_810 = arith.constant 1 : i32
    %dma_wait3A_811 = arith.constant 1 : i32
    %dma_wait3A_812 = arith.constant 0 : i32
    %dma_wait3A_813 = arith.constant 0 : i32
    %dma_wait3A_814 = tpu.memref_slice %arg6[%dma_wait3A_810, %dma_wait3A_812, %dma_wait3A_813] : memref<4x192x128xf32, #tpu.memory_space<vmem>> -> memref<1x192x128xf32, #tpu.memory_space<vmem>>
    %dma_wait3A_815 = tpu.memref_squeeze %dma_wait3A_814 : memref<1x192x128xf32, #tpu.memory_space<vmem>> -> memref<192x128xf32, #tpu.memory_space<vmem>>
    %dma_wait3A_816 = arith.constant 2496 : i32
    %dma_wait3A_817 = tpu.memref_slice %arg5[%dma_wait3A_816] : memref<3128xi32, #tpu.memory_space<vmem>> -> memref<192xi32, #tpu.memory_space<vmem>>
    %dma_wait3A_818 = arith.constant 0 : i32
    %dma_wait3A_819 = arith.constant 0 : i32
    %dma_wait3A_820 = tpu.memref_slice %arg3[%dma_wait3A_818, %dma_wait3A_819] : memref<100000x128xf32, #tpu.memory_space<hbm>> -> memref<100000x128xf32, #tpu.memory_space<hbm>>
    %dma_wait3A_821 = tpu.memref_slice %arg8[%dma_wait3A_811] : memref<4x!tpu.dma_semaphore, #tpu.memory_space<semaphore_mem>> -> memref<1x!tpu.dma_semaphore, #tpu.memory_space<semaphore_mem>>
    %dma_wait3A_822 = tpu.memref_squeeze %dma_wait3A_821 : memref<1x!tpu.dma_semaphore, #tpu.memory_space<semaphore_mem>> -> memref<!tpu.dma_semaphore, #tpu.memory_space<semaphore_mem>>
    tpu.wait_indirect_dma semaphore(%dma_wait3A_822 : memref<!tpu.dma_semaphore, #tpu.memory_space<semaphore_mem>>) src(%dma_wait3A_820 : memref<100000x128xf32, #tpu.memory_space<hbm>>) dst(%dma_wait3A_815 : memref<192x128xf32, #tpu.memory_space<vmem>>)
    %add3A_823 = arith.constant 2496 : i32
    %add3A_824 = arith.addi %multiple_of3A, %add3A_823 : i32
    %dma_start3A_825 = arith.constant 1 : i32
    %dma_start3A_826 = arith.constant 1 : i32
    %dma_start3A_827 = arith.constant 0 : i32
    %dma_start3A_828 = arith.constant 0 : i32
    %dma_start3A_829 = tpu.memref_slice %arg6[%dma_start3A_825, %dma_start3A_827, %dma_start3A_828] : memref<4x192x128xf32, #tpu.memory_space<vmem>> -> memref<1x192x128xf32, #tpu.memory_space<vmem>>
    %dma_start3A_830 = tpu.memref_squeeze %dma_start3A_829 : memref<1x192x128xf32, #tpu.memory_space<vmem>> -> memref<192x128xf32, #tpu.memory_space<vmem>>
    %dma_start3A_831 = arith.constant 0 : i32
    %dma_start3A_832 = tpu.memref_slice %arg4[%add3A_824, %dma_start3A_831] : memref<100000x128xf32, #tpu.memory_space<hbm>> -> memref<192x128xf32, #tpu.memory_space<hbm>>
    %dma_start3A_833 = tpu.memref_slice %arg9[%dma_start3A_826] : memref<4x!tpu.dma_semaphore, #tpu.memory_space<semaphore_mem>> -> memref<1x!tpu.dma_semaphore, #tpu.memory_space<semaphore_mem>>
    %dma_start3A_834 = tpu.memref_squeeze %dma_start3A_833 : memref<1x!tpu.dma_semaphore, #tpu.memory_space<semaphore_mem>> -> memref<!tpu.dma_semaphore, #tpu.memory_space<semaphore_mem>>
    %dma_start3A_835 = arith.constant 0 : i32
    %dma_start3A_836 = tpu.memref_slice %arg4[%add3A_824, %dma_start3A_835] : memref<100000x128xf32, #tpu.memory_space<hbm>> -> memref<192x128xf32, #tpu.memory_space<hbm>>
    %dma_start3A_837 = arith.constant 0 : i32
    %dma_start3A_838 = arith.constant 0 : i32
    %dma_start3A_839 = tpu.memref_slice %arg6[%dma_start3A_825, %dma_start3A_837, %dma_start3A_838] : memref<4x192x128xf32, #tpu.memory_space<vmem>> -> memref<1x192x128xf32, #tpu.memory_space<vmem>>
    %dma_start3A_840 = tpu.memref_squeeze %dma_start3A_839 : memref<1x192x128xf32, #tpu.memory_space<vmem>> -> memref<192x128xf32, #tpu.memory_space<vmem>>
    tpu.enqueue_dma source(%dma_start3A_840 : memref<192x128xf32, #tpu.memory_space<vmem>>) target(%dma_start3A_836 : memref<192x128xf32, #tpu.memory_space<hbm>>) target_semaphore(%dma_start3A_834 : memref<!tpu.dma_semaphore, #tpu.memory_space<semaphore_mem>>)
    %dma_wait3A_841 = arith.constant 2 : i32
    %dma_wait3A_842 = arith.constant 2 : i32
    %dma_wait3A_843 = arith.constant 0 : i32
    %dma_wait3A_844 = arith.constant 0 : i32
    %dma_wait3A_845 = tpu.memref_slice %arg6[%dma_wait3A_841, %dma_wait3A_843, %dma_wait3A_844] : memref<4x192x128xf32, #tpu.memory_space<vmem>> -> memref<1x192x128xf32, #tpu.memory_space<vmem>>
    %dma_wait3A_846 = tpu.memref_squeeze %dma_wait3A_845 : memref<1x192x128xf32, #tpu.memory_space<vmem>> -> memref<192x128xf32, #tpu.memory_space<vmem>>
    %dma_wait3A_847 = arith.constant 2688 : i32
    %dma_wait3A_848 = tpu.memref_slice %arg5[%dma_wait3A_847] : memref<3128xi32, #tpu.memory_space<vmem>> -> memref<192xi32, #tpu.memory_space<vmem>>
    %dma_wait3A_849 = arith.constant 0 : i32
    %dma_wait3A_850 = arith.constant 0 : i32
    %dma_wait3A_851 = tpu.memref_slice %arg3[%dma_wait3A_849, %dma_wait3A_850] : memref<100000x128xf32, #tpu.memory_space<hbm>> -> memref<100000x128xf32, #tpu.memory_space<hbm>>
    %dma_wait3A_852 = tpu.memref_slice %arg8[%dma_wait3A_842] : memref<4x!tpu.dma_semaphore, #tpu.memory_space<semaphore_mem>> -> memref<1x!tpu.dma_semaphore, #tpu.memory_space<semaphore_mem>>
    %dma_wait3A_853 = tpu.memref_squeeze %dma_wait3A_852 : memref<1x!tpu.dma_semaphore, #tpu.memory_space<semaphore_mem>> -> memref<!tpu.dma_semaphore, #tpu.memory_space<semaphore_mem>>
    tpu.wait_indirect_dma semaphore(%dma_wait3A_853 : memref<!tpu.dma_semaphore, #tpu.memory_space<semaphore_mem>>) src(%dma_wait3A_851 : memref<100000x128xf32, #tpu.memory_space<hbm>>) dst(%dma_wait3A_846 : memref<192x128xf32, #tpu.memory_space<vmem>>)
    %add3A_854 = arith.constant 2688 : i32
    %add3A_855 = arith.addi %multiple_of3A, %add3A_854 : i32
    %dma_start3A_856 = arith.constant 2 : i32
    %dma_start3A_857 = arith.constant 2 : i32
    %dma_start3A_858 = arith.constant 0 : i32
    %dma_start3A_859 = arith.constant 0 : i32
    %dma_start3A_860 = tpu.memref_slice %arg6[%dma_start3A_856, %dma_start3A_858, %dma_start3A_859] : memref<4x192x128xf32, #tpu.memory_space<vmem>> -> memref<1x192x128xf32, #tpu.memory_space<vmem>>
    %dma_start3A_861 = tpu.memref_squeeze %dma_start3A_860 : memref<1x192x128xf32, #tpu.memory_space<vmem>> -> memref<192x128xf32, #tpu.memory_space<vmem>>
    %dma_start3A_862 = arith.constant 0 : i32
    %dma_start3A_863 = tpu.memref_slice %arg4[%add3A_855, %dma_start3A_862] : memref<100000x128xf32, #tpu.memory_space<hbm>> -> memref<192x128xf32, #tpu.memory_space<hbm>>
    %dma_start3A_864 = tpu.memref_slice %arg9[%dma_start3A_857] : memref<4x!tpu.dma_semaphore, #tpu.memory_space<semaphore_mem>> -> memref<1x!tpu.dma_semaphore, #tpu.memory_space<semaphore_mem>>
    %dma_start3A_865 = tpu.memref_squeeze %dma_start3A_864 : memref<1x!tpu.dma_semaphore, #tpu.memory_space<semaphore_mem>> -> memref<!tpu.dma_semaphore, #tpu.memory_space<semaphore_mem>>
    %dma_start3A_866 = arith.constant 0 : i32
    %dma_start3A_867 = tpu.memref_slice %arg4[%add3A_855, %dma_start3A_866] : memref<100000x128xf32, #tpu.memory_space<hbm>> -> memref<192x128xf32, #tpu.memory_space<hbm>>
    %dma_start3A_868 = arith.constant 0 : i32
    %dma_start3A_869 = arith.constant 0 : i32
    %dma_start3A_870 = tpu.memref_slice %arg6[%dma_start3A_856, %dma_start3A_868, %dma_start3A_869] : memref<4x192x128xf32, #tpu.memory_space<vmem>> -> memref<1x192x128xf32, #tpu.memory_space<vmem>>
    %dma_start3A_871 = tpu.memref_squeeze %dma_start3A_870 : memref<1x192x128xf32, #tpu.memory_space<vmem>> -> memref<192x128xf32, #tpu.memory_space<vmem>>
    tpu.enqueue_dma source(%dma_start3A_871 : memref<192x128xf32, #tpu.memory_space<vmem>>) target(%dma_start3A_867 : memref<192x128xf32, #tpu.memory_space<hbm>>) target_semaphore(%dma_start3A_865 : memref<!tpu.dma_semaphore, #tpu.memory_space<semaphore_mem>>)
    %dma_wait3A_872 = arith.constant 3 : i32
    %dma_wait3A_873 = arith.constant 3 : i32
    %dma_wait3A_874 = arith.constant 0 : i32
    %dma_wait3A_875 = arith.constant 0 : i32
    %dma_wait3A_876 = tpu.memref_slice %arg6[%dma_wait3A_872, %dma_wait3A_874, %dma_wait3A_875] : memref<4x192x128xf32, #tpu.memory_space<vmem>> -> memref<1x192x128xf32, #tpu.memory_space<vmem>>
    %dma_wait3A_877 = tpu.memref_squeeze %dma_wait3A_876 : memref<1x192x128xf32, #tpu.memory_space<vmem>> -> memref<192x128xf32, #tpu.memory_space<vmem>>
    %dma_wait3A_878 = arith.constant 2880 : i32
    %dma_wait3A_879 = tpu.memref_slice %arg5[%dma_wait3A_878] : memref<3128xi32, #tpu.memory_space<vmem>> -> memref<192xi32, #tpu.memory_space<vmem>>
    %dma_wait3A_880 = arith.constant 0 : i32
    %dma_wait3A_881 = arith.constant 0 : i32
    %dma_wait3A_882 = tpu.memref_slice %arg3[%dma_wait3A_880, %dma_wait3A_881] : memref<100000x128xf32, #tpu.memory_space<hbm>> -> memref<100000x128xf32, #tpu.memory_space<hbm>>
    %dma_wait3A_883 = tpu.memref_slice %arg8[%dma_wait3A_873] : memref<4x!tpu.dma_semaphore, #tpu.memory_space<semaphore_mem>> -> memref<1x!tpu.dma_semaphore, #tpu.memory_space<semaphore_mem>>
    %dma_wait3A_884 = tpu.memref_squeeze %dma_wait3A_883 : memref<1x!tpu.dma_semaphore, #tpu.memory_space<semaphore_mem>> -> memref<!tpu.dma_semaphore, #tpu.memory_space<semaphore_mem>>
    tpu.wait_indirect_dma semaphore(%dma_wait3A_884 : memref<!tpu.dma_semaphore, #tpu.memory_space<semaphore_mem>>) src(%dma_wait3A_882 : memref<100000x128xf32, #tpu.memory_space<hbm>>) dst(%dma_wait3A_877 : memref<192x128xf32, #tpu.memory_space<vmem>>)
    %add3A_885 = arith.constant 2880 : i32
    %add3A_886 = arith.addi %multiple_of3A, %add3A_885 : i32
    %dma_start3A_887 = arith.constant 3 : i32
    %dma_start3A_888 = arith.constant 3 : i32
    %dma_start3A_889 = arith.constant 0 : i32
    %dma_start3A_890 = arith.constant 0 : i32
    %dma_start3A_891 = tpu.memref_slice %arg6[%dma_start3A_887, %dma_start3A_889, %dma_start3A_890] : memref<4x192x128xf32, #tpu.memory_space<vmem>> -> memref<1x192x128xf32, #tpu.memory_space<vmem>>
    %dma_start3A_892 = tpu.memref_squeeze %dma_start3A_891 : memref<1x192x128xf32, #tpu.memory_space<vmem>> -> memref<192x128xf32, #tpu.memory_space<vmem>>
    %dma_start3A_893 = arith.constant 0 : i32
    %dma_start3A_894 = tpu.memref_slice %arg4[%add3A_886, %dma_start3A_893] : memref<100000x128xf32, #tpu.memory_space<hbm>> -> memref<192x128xf32, #tpu.memory_space<hbm>>
    %dma_start3A_895 = tpu.memref_slice %arg9[%dma_start3A_888] : memref<4x!tpu.dma_semaphore, #tpu.memory_space<semaphore_mem>> -> memref<1x!tpu.dma_semaphore, #tpu.memory_space<semaphore_mem>>
    %dma_start3A_896 = tpu.memref_squeeze %dma_start3A_895 : memref<1x!tpu.dma_semaphore, #tpu.memory_space<semaphore_mem>> -> memref<!tpu.dma_semaphore, #tpu.memory_space<semaphore_mem>>
    %dma_start3A_897 = arith.constant 0 : i32
    %dma_start3A_898 = tpu.memref_slice %arg4[%add3A_886, %dma_start3A_897] : memref<100000x128xf32, #tpu.memory_space<hbm>> -> memref<192x128xf32, #tpu.memory_space<hbm>>
    %dma_start3A_899 = arith.constant 0 : i32
    %dma_start3A_900 = arith.constant 0 : i32
    %dma_start3A_901 = tpu.memref_slice %arg6[%dma_start3A_887, %dma_start3A_899, %dma_start3A_900] : memref<4x192x128xf32, #tpu.memory_space<vmem>> -> memref<1x192x128xf32, #tpu.memory_space<vmem>>
    %dma_start3A_902 = tpu.memref_squeeze %dma_start3A_901 : memref<1x192x128xf32, #tpu.memory_space<vmem>> -> memref<192x128xf32, #tpu.memory_space<vmem>>
    tpu.enqueue_dma source(%dma_start3A_902 : memref<192x128xf32, #tpu.memory_space<vmem>>) target(%dma_start3A_898 : memref<192x128xf32, #tpu.memory_space<hbm>>) target_semaphore(%dma_start3A_896 : memref<!tpu.dma_semaphore, #tpu.memory_space<semaphore_mem>>)
    %dma_wait3A_903 = arith.constant 0 : i32
    %dma_wait3A_904 = arith.constant 0 : i32
    %dma_wait3A_905 = arith.constant 0 : i32
    %dma_wait3A_906 = arith.constant 0 : i32
    %dma_wait3A_907 = tpu.memref_slice %arg6[%dma_wait3A_903, %dma_wait3A_905, %dma_wait3A_906] : memref<4x192x128xf32, #tpu.memory_space<vmem>> -> memref<1x192x128xf32, #tpu.memory_space<vmem>>
    %dma_wait3A_908 = tpu.memref_squeeze %dma_wait3A_907 : memref<1x192x128xf32, #tpu.memory_space<vmem>> -> memref<192x128xf32, #tpu.memory_space<vmem>>
    %dma_wait3A_909 = arith.constant 0 : i32
    %dma_wait3A_910 = tpu.memref_slice %arg4[%add3A_764, %dma_wait3A_909] : memref<100000x128xf32, #tpu.memory_space<hbm>> -> memref<192x128xf32, #tpu.memory_space<hbm>>
    %dma_wait3A_911 = tpu.memref_slice %arg9[%dma_wait3A_904] : memref<4x!tpu.dma_semaphore, #tpu.memory_space<semaphore_mem>> -> memref<1x!tpu.dma_semaphore, #tpu.memory_space<semaphore_mem>>
    %dma_wait3A_912 = tpu.memref_squeeze %dma_wait3A_911 : memref<1x!tpu.dma_semaphore, #tpu.memory_space<semaphore_mem>> -> memref<!tpu.dma_semaphore, #tpu.memory_space<semaphore_mem>>
    %dma_wait3A_913 = arith.constant 0 : i32
    %dma_wait3A_914 = tpu.memref_slice %arg4[%add3A_764, %dma_wait3A_913] : memref<100000x128xf32, #tpu.memory_space<hbm>> -> memref<192x128xf32, #tpu.memory_space<hbm>>
    %dma_wait3A_915 = arith.constant 0 : i32
    %dma_wait3A_916 = arith.constant 0 : i32
    %dma_wait3A_917 = tpu.memref_slice %arg6[%dma_wait3A_903, %dma_wait3A_915, %dma_wait3A_916] : memref<4x192x128xf32, #tpu.memory_space<vmem>> -> memref<1x192x128xf32, #tpu.memory_space<vmem>>
    %dma_wait3A_918 = tpu.memref_squeeze %dma_wait3A_917 : memref<1x192x128xf32, #tpu.memory_space<vmem>> -> memref<192x128xf32, #tpu.memory_space<vmem>>
    tpu.wait_dma2 semaphore(%dma_wait3A_912 : memref<!tpu.dma_semaphore, #tpu.memory_space<semaphore_mem>>) src(%dma_wait3A_918 : memref<192x128xf32, #tpu.memory_space<vmem>>) dst(%dma_wait3A_914 : memref<192x128xf32, #tpu.memory_space<hbm>>)
    %dma_wait3A_919 = arith.constant 1 : i32
    %dma_wait3A_920 = arith.constant 1 : i32
    %dma_wait3A_921 = arith.constant 0 : i32
    %dma_wait3A_922 = arith.constant 0 : i32
    %dma_wait3A_923 = tpu.memref_slice %arg6[%dma_wait3A_919, %dma_wait3A_921, %dma_wait3A_922] : memref<4x192x128xf32, #tpu.memory_space<vmem>> -> memref<1x192x128xf32, #tpu.memory_space<vmem>>
    %dma_wait3A_924 = tpu.memref_squeeze %dma_wait3A_923 : memref<1x192x128xf32, #tpu.memory_space<vmem>> -> memref<192x128xf32, #tpu.memory_space<vmem>>
    %dma_wait3A_925 = arith.constant 0 : i32
    %dma_wait3A_926 = tpu.memref_slice %arg4[%add3A_824, %dma_wait3A_925] : memref<100000x128xf32, #tpu.memory_space<hbm>> -> memref<192x128xf32, #tpu.memory_space<hbm>>
    %dma_wait3A_927 = tpu.memref_slice %arg9[%dma_wait3A_920] : memref<4x!tpu.dma_semaphore, #tpu.memory_space<semaphore_mem>> -> memref<1x!tpu.dma_semaphore, #tpu.memory_space<semaphore_mem>>
    %dma_wait3A_928 = tpu.memref_squeeze %dma_wait3A_927 : memref<1x!tpu.dma_semaphore, #tpu.memory_space<semaphore_mem>> -> memref<!tpu.dma_semaphore, #tpu.memory_space<semaphore_mem>>
    %dma_wait3A_929 = arith.constant 0 : i32
    %dma_wait3A_930 = tpu.memref_slice %arg4[%add3A_824, %dma_wait3A_929] : memref<100000x128xf32, #tpu.memory_space<hbm>> -> memref<192x128xf32, #tpu.memory_space<hbm>>
    %dma_wait3A_931 = arith.constant 0 : i32
    %dma_wait3A_932 = arith.constant 0 : i32
    %dma_wait3A_933 = tpu.memref_slice %arg6[%dma_wait3A_919, %dma_wait3A_931, %dma_wait3A_932] : memref<4x192x128xf32, #tpu.memory_space<vmem>> -> memref<1x192x128xf32, #tpu.memory_space<vmem>>
    %dma_wait3A_934 = tpu.memref_squeeze %dma_wait3A_933 : memref<1x192x128xf32, #tpu.memory_space<vmem>> -> memref<192x128xf32, #tpu.memory_space<vmem>>
    tpu.wait_dma2 semaphore(%dma_wait3A_928 : memref<!tpu.dma_semaphore, #tpu.memory_space<semaphore_mem>>) src(%dma_wait3A_934 : memref<192x128xf32, #tpu.memory_space<vmem>>) dst(%dma_wait3A_930 : memref<192x128xf32, #tpu.memory_space<hbm>>)
    %dma_wait3A_935 = arith.constant 2 : i32
    %dma_wait3A_936 = arith.constant 2 : i32
    %dma_wait3A_937 = arith.constant 0 : i32
    %dma_wait3A_938 = arith.constant 0 : i32
    %dma_wait3A_939 = tpu.memref_slice %arg6[%dma_wait3A_935, %dma_wait3A_937, %dma_wait3A_938] : memref<4x192x128xf32, #tpu.memory_space<vmem>> -> memref<1x192x128xf32, #tpu.memory_space<vmem>>
    %dma_wait3A_940 = tpu.memref_squeeze %dma_wait3A_939 : memref<1x192x128xf32, #tpu.memory_space<vmem>> -> memref<192x128xf32, #tpu.memory_space<vmem>>
    %dma_wait3A_941 = arith.constant 0 : i32
    %dma_wait3A_942 = tpu.memref_slice %arg4[%add3A_855, %dma_wait3A_941] : memref<100000x128xf32, #tpu.memory_space<hbm>> -> memref<192x128xf32, #tpu.memory_space<hbm>>
    %dma_wait3A_943 = tpu.memref_slice %arg9[%dma_wait3A_936] : memref<4x!tpu.dma_semaphore, #tpu.memory_space<semaphore_mem>> -> memref<1x!tpu.dma_semaphore, #tpu.memory_space<semaphore_mem>>
    %dma_wait3A_944 = tpu.memref_squeeze %dma_wait3A_943 : memref<1x!tpu.dma_semaphore, #tpu.memory_space<semaphore_mem>> -> memref<!tpu.dma_semaphore, #tpu.memory_space<semaphore_mem>>
    %dma_wait3A_945 = arith.constant 0 : i32
    %dma_wait3A_946 = tpu.memref_slice %arg4[%add3A_855, %dma_wait3A_945] : memref<100000x128xf32, #tpu.memory_space<hbm>> -> memref<192x128xf32, #tpu.memory_space<hbm>>
    %dma_wait3A_947 = arith.constant 0 : i32
    %dma_wait3A_948 = arith.constant 0 : i32
    %dma_wait3A_949 = tpu.memref_slice %arg6[%dma_wait3A_935, %dma_wait3A_947, %dma_wait3A_948] : memref<4x192x128xf32, #tpu.memory_space<vmem>> -> memref<1x192x128xf32, #tpu.memory_space<vmem>>
    %dma_wait3A_950 = tpu.memref_squeeze %dma_wait3A_949 : memref<1x192x128xf32, #tpu.memory_space<vmem>> -> memref<192x128xf32, #tpu.memory_space<vmem>>
    tpu.wait_dma2 semaphore(%dma_wait3A_944 : memref<!tpu.dma_semaphore, #tpu.memory_space<semaphore_mem>>) src(%dma_wait3A_950 : memref<192x128xf32, #tpu.memory_space<vmem>>) dst(%dma_wait3A_946 : memref<192x128xf32, #tpu.memory_space<hbm>>)
    %dma_wait3A_951 = arith.constant 3 : i32
    %dma_wait3A_952 = arith.constant 3 : i32
    %dma_wait3A_953 = arith.constant 0 : i32
    %dma_wait3A_954 = arith.constant 0 : i32
    %dma_wait3A_955 = tpu.memref_slice %arg6[%dma_wait3A_951, %dma_wait3A_953, %dma_wait3A_954] : memref<4x192x128xf32, #tpu.memory_space<vmem>> -> memref<1x192x128xf32, #tpu.memory_space<vmem>>
    %dma_wait3A_956 = tpu.memref_squeeze %dma_wait3A_955 : memref<1x192x128xf32, #tpu.memory_space<vmem>> -> memref<192x128xf32, #tpu.memory_space<vmem>>
    %dma_wait3A_957 = arith.constant 0 : i32
    %dma_wait3A_958 = tpu.memref_slice %arg4[%add3A_886, %dma_wait3A_957] : memref<100000x128xf32, #tpu.memory_space<hbm>> -> memref<192x128xf32, #tpu.memory_space<hbm>>
    %dma_wait3A_959 = tpu.memref_slice %arg9[%dma_wait3A_952] : memref<4x!tpu.dma_semaphore, #tpu.memory_space<semaphore_mem>> -> memref<1x!tpu.dma_semaphore, #tpu.memory_space<semaphore_mem>>
    %dma_wait3A_960 = tpu.memref_squeeze %dma_wait3A_959 : memref<1x!tpu.dma_semaphore, #tpu.memory_space<semaphore_mem>> -> memref<!tpu.dma_semaphore, #tpu.memory_space<semaphore_mem>>
    %dma_wait3A_961 = arith.constant 0 : i32
    %dma_wait3A_962 = tpu.memref_slice %arg4[%add3A_886, %dma_wait3A_961] : memref<100000x128xf32, #tpu.memory_space<hbm>> -> memref<192x128xf32, #tpu.memory_space<hbm>>
    %dma_wait3A_963 = arith.constant 0 : i32
    %dma_wait3A_964 = arith.constant 0 : i32
    %dma_wait3A_965 = tpu.memref_slice %arg6[%dma_wait3A_951, %dma_wait3A_963, %dma_wait3A_964] : memref<4x192x128xf32, #tpu.memory_space<vmem>> -> memref<1x192x128xf32, #tpu.memory_space<vmem>>
    %dma_wait3A_966 = tpu.memref_squeeze %dma_wait3A_965 : memref<1x192x128xf32, #tpu.memory_space<vmem>> -> memref<192x128xf32, #tpu.memory_space<vmem>>
    tpu.wait_dma2 semaphore(%dma_wait3A_960 : memref<!tpu.dma_semaphore, #tpu.memory_space<semaphore_mem>>) src(%dma_wait3A_966 : memref<192x128xf32, #tpu.memory_space<vmem>>) dst(%dma_wait3A_962 : memref<192x128xf32, #tpu.memory_space<hbm>>)
    %dma_wait3A_967 = arith.constant 3072 : i32
    %dma_wait3A_968 = tpu.memref_slice %arg5[%dma_wait3A_967] : memref<3128xi32, #tpu.memory_space<vmem>> -> memref<56xi32, #tpu.memory_space<vmem>>
    %dma_wait3A_969 = arith.constant 0 : i32
    %dma_wait3A_970 = arith.constant 0 : i32
    %dma_wait3A_971 = tpu.memref_slice %arg3[%dma_wait3A_969, %dma_wait3A_970] : memref<100000x128xf32, #tpu.memory_space<hbm>> -> memref<100000x128xf32, #tpu.memory_space<hbm>>
    tpu.wait_indirect_dma semaphore(%arg10 : memref<!tpu.dma_semaphore, #tpu.memory_space<semaphore_mem>>) src(%dma_wait3A_971 : memref<100000x128xf32, #tpu.memory_space<hbm>>) dst(%arg7 : memref<56x128xf32, #tpu.memory_space<vmem>>)
    %add3A_972 = arith.constant 3072 : i32
    %add3A_973 = arith.addi %multiple_of3A, %add3A_972 : i32
    "tpu.region"() ({
      %run_scoped3A = tpu.sem_alloc : memref<!tpu.dma_semaphore, #tpu.memory_space<semaphore_mem>>
      %dma_start3A_974 = arith.constant 0 : i32
      %dma_start3A_975 = tpu.memref_slice %arg4[%add3A_973, %dma_start3A_974] : memref<100000x128xf32, #tpu.memory_space<hbm>> -> memref<56x128xf32, #tpu.memory_space<hbm>>
      %dma_start3A_976 = arith.constant 0 : i32
      %dma_start3A_977 = tpu.memref_slice %arg4[%add3A_973, %dma_start3A_976] : memref<100000x128xf32, #tpu.memory_space<hbm>> -> memref<56x128xf32, #tpu.memory_space<hbm>>
      tpu.enqueue_dma source(%arg7 : memref<56x128xf32, #tpu.memory_space<vmem>>) target(%dma_start3A_977 : memref<56x128xf32, #tpu.memory_space<hbm>>) target_semaphore(%run_scoped3A : memref<!tpu.dma_semaphore, #tpu.memory_space<semaphore_mem>>)
      %dma_wait3A_978 = arith.constant 0 : i32
      %dma_wait3A_979 = tpu.memref_slice %arg4[%add3A_973, %dma_wait3A_978] : memref<100000x128xf32, #tpu.memory_space<hbm>> -> memref<56x128xf32, #tpu.memory_space<hbm>>
      %dma_wait3A_980 = arith.constant 0 : i32
      %dma_wait3A_981 = tpu.memref_slice %arg4[%add3A_973, %dma_wait3A_980] : memref<100000x128xf32, #tpu.memory_space<hbm>> -> memref<56x128xf32, #tpu.memory_space<hbm>>
      tpu.wait_dma2 semaphore(%run_scoped3A : memref<!tpu.dma_semaphore, #tpu.memory_space<semaphore_mem>>) src(%arg7 : memref<56x128xf32, #tpu.memory_space<vmem>>) dst(%dma_wait3A_981 : memref<56x128xf32, #tpu.memory_space<hbm>>)
      tpu.yield
    }) : () -> ()
    return
  }
}

</mosaic_0001>

<sc_bundles>
// kernel: _gather.3.cloned.1.call-start
scs
__scs_entry_jumppad:
0x0: {  	(pc) =	sbr.rel $0x88, $3  }
0x1: {  	(tag) =	ssettag $0x0;
	lr =	simm.s32 $0x1  }
0x2: {  	[smem:$0x3F9F] =	sst lr;
	_ =	strace $0xD0000000  }
0x3: {  	_ = 	snop  }
0x4: {  	_ = 	snop  }
0x5: {  	_ = 	snop  }
0x6: {  	_ = 	snop  }
0x7: {  	_ = 	snop  }
__scs_overlays_trampoline_lowered:
0x8: {  	[smem:$0x3FAE] =	sst s0  }
0x9: {  	[smem:$0x3FAF] =	sst s1  }
0xa: {  	[smem:$0x3FB0] =	sst s2  }
0xb: {  	[smem:$0x3FB1] =	sst s3  }
0xc: {  	[smem:$0x3FB2] =	sst s4  }
0xd: {  	[smem:$0x3FB3] =	sst s5  }
0xe: {  	[smem:$0x3FB4] =	sst s6  }
0xf: {  	[smem:$0x3FB5] =	sst s7  }
0x10: {  	[smem:$0x3FB6] =	sst s8  }
0x11: {  	[smem:$0x3FB7] =	sst s9;
	s0 =	simm.s32 @!p0 $0x0  }
0x12: {  	s1 =	sld [smem:$0x3F9D];
	s0 =	simm.s32 @p0 $0x1  }
0x13: {  	[smem:$0x3FB8] =	sst s0;
	s0 =	simm.s32 @!p1 $0x0  }
0x14: {  	s2 =	sld [smem:$0x3F9C];
	s0 =	simm.s32 @p1 $0x1  }
0x15: {  	[smem:$0x3FB9] =	sst s0;
	s0 =	simm.s32 @!p2 $0x0  }
0x16: {  	s3 =	sld [smem:$0x3FDB];
	s0 =	simm.s32 @p2 $0x1  }
0x17: {  	s4 =	simm.s32 $0x1BF5;
	[smem:$0x3FBB] =	sst s0  }
0x18: {  	s0 =	sld [smem:$0x3F9E];
	_ =	swait.ge [sflag:s4], $0x0  }
0x19: {  	s7 =	sld [smem:$0x3F9F]  }
0x1a: {  	s8 =	sadd.s32 $0xFFFFE003, lr  }
0x1b: {  	s9 =	sadd.s32 $0xFFFFFEF7, lr;
	s5 =	simm.s32 $0xFFFFFFFF;
	p2 =	slt.u32 s8, $0xFFFFF086  }
0x1c: {  	p1 =	slt.u32 s9, $0xF7A;
	s5 =	simm.s32 @!p2 $0x0  }
0x1d: {  	s5 =	simm.s32 @p1 $0x1;
	p0 =	seq.s32 s7, s2  }
0x1e: {  	s7 =	smul.u32 @!p0 $0xF7A, s2;
	p2 =	seq.s32 @!p0 s5, $0x0  }
0x1f: {  	s9 =	smul.u32 $0xF7A, s1;
	s8 =	simm.s32 @!p0 $0x1BF5;
	p2 =	por !p2, p0  }
0x20: {  	[sflag:s8] =	ssyncset.s32 @!p0 $0xFFFFF086;
	s6 =	sadd.s32 @!p0 s3, s7;
	s7 =	simm.s32 @!p0 $0x108  }
0x21: {  	s3 =	sadd.s32 s3, s9;
	s6 =	sadd.s32 @!p0 $0x88, s6;
	s7 =	simm.s32 @p2 $0x1082  }
0x22: {  	[simem:s7], [sflag:s8] =	dma.local @!p0 [hbm:s6], $0xF7A  }
0x23: {  	s9 =	sor.u32 $0xD0000000, s2;
	s6 =	simm.s32 $0x108;
	_ =	swait.ge @!p0 [sflag:s8], $0x0  }
0x24: {  	s3 =	sadd.s32 $0x88, s3;
	s6 =	simm.s32 @!p1 $0x1082;
	[sflag:s4] =	ssyncset.s32 $0xFFFFF086  }
0x25: {  	[simem:s6], [sflag:s4] =	dma.local [hbm:s3], $0xF7A  }
0x26: {  	[smem:$0x3F9F] =	sst s1;
	(tag) =	ssettag s2;
	_ =	strace s9  }
0x27: {  	s1 =	sld [smem:$0x3FAF]  }
0x28: {  	s2 =	sld [smem:$0x3FB0]  }
0x29: {  	s4 =	sld [smem:$0x3FB2]  }
0x2a: {  	p0 =	seq.s32 s5, $0x0;
	s5 =	sld [smem:$0x3FB3]  }
0x2b: {  	s6 =	sld [smem:$0x3FB4]  }
0x2c: {  	s7 =	sld [smem:$0x3FB5]  }
0x2d: {  	s3 =	simm.s32 $0x108;
	s8 =	sld [smem:$0x3FB6]  }
0x2e: {  	s3 =	simm.s32 @!p0 $0x1082;
	s9 =	sld [smem:$0x3FB7]  }
0x2f: {  	lr =	sadd.s32 s0, s3;
	s0 =	sld [smem:$0x3FAE]  }
0x30: {  	s3 =	sld [smem:$0x3FB1]  }
0x31: {  	[smem:$0x3FBA] =	sst s10  }
0x32: {  	s10 =	sld [smem:$0x3FB8];
	_ =	sdelay $0x3  }
0x33: {  	p0 =	seq.s32 s10, $0x1;
	s10 =	sld [smem:$0x3FBA];
	_ =	sdelay $0x3  }
0x34: {  	[smem:$0x3FBA] =	sst s10  }
0x35: {  	s10 =	sld [smem:$0x3FB9];
	_ =	sdelay $0x3  }
0x36: {  	p1 =	seq.s32 s10, $0x1;
	s10 =	sld [smem:$0x3FBA];
	_ =	sdelay $0x3  }
0x37: {  	[smem:$0x3FBA] =	sst s10  }
0x38: {  	s10 =	sld [smem:$0x3FBB]  }
0x39: {  	_ = 	snop;
	(pc) =	sbr.ind lr, $3  }
0x3a: {  	_ = 	snop  }
0x3b: {  	_ = 	snop  }
0x3c: {  	p2 =	seq.s32 s10, $0x1;
	s10 =	sld [smem:$0x3FBA]  }
0x3d: {  	_ =	shalt  }
0x3e: {  	_ =	shalt  }
0x3f: {  	_ =	shalt  }
0x40: {  	_ =	shalt  }
0x41: {  	_ =	shalt  }
0x42: {  	_ =	shalt  }
0x43: {  	_ =	shalt  }
0x44: {  	_ =	shalt  }
0x45: {  	_ =	shalt  }
0x46: {  	_ =	shalt  }
0x47: {  	_ =	shalt  }
0x48: {  	_ =	shalt  }
0x49: {  	_ =	shalt  }
0x4a: {  	_ =	shalt  }
0x4b: {  	_ =	shalt  }
0x4c: {  	_ =	shalt  }
0x4d: {  	_ =	shalt  }
0x4e: {  	_ =	shalt  }
0x4f: {  	_ =	shalt  }
0x50: {  	_ =	shalt  }
0x51: {  	_ =	shalt  }
0x52: {  	_ =	shalt  }
0x53: {  	_ =	shalt  }
0x54: {  	_ =	shalt  }
0x55: {  	_ =	shalt  }
0x56: {  	_ =	shalt  }
0x57: {  	_ =	shalt  }
0x58: {  	_ =	shalt  }
0x59: {  	_ =	shalt  }
0x5a: {  	_ =	shalt  }
0x5b: {  	_ =	shalt  }
0x5c: {  	_ =	shalt  }
0x5d: {  	_ =	shalt  }
0x5e: {  	_ =	shalt  }
0x5f: {  	_ =	shalt  }
0x60: {  	_ =	shalt  }
0x61: {  	_ =	shalt  }
0x62: {  	_ =	shalt  }
0x63: {  	_ =	shalt  }
0x64: {  	_ =	shalt  }
0x65: {  	_ =	shalt  }
0x66: {  	_ =	shalt  }
0x67: {  	_ =	shalt  }
0x68: {  	_ =	shalt  }
0x69: {  	_ =	shalt  }
0x6a: {  	_ =	shalt  }
0x6b: {  	_ =	shalt  }
0x6c: {  	_ =	shalt  }
0x6d: {  	_ =	shalt  }
0x6e: {  	_ =	shalt  }
0x6f: {  	_ =	shalt  }
0x70: {  	_ =	shalt  }
0x71: {  	_ =	shalt  }
0x72: {  	_ =	shalt  }
0x73: {  	_ =	shalt  }
0x74: {  	_ =	shalt  }
0x75: {  	_ =	shalt  }
0x76: {  	_ =	shalt  }
0x77: {  	_ =	shalt  }
0x78: {  	_ =	shalt  }
0x79: {  	_ =	shalt  }
0x7a: {  	_ =	shalt  }
0x7b: {  	_ =	shalt  }
0x7c: {  	_ =	shalt  }
0x7d: {  	_ =	shalt  }
0x7e: {  	_ =	shalt  }
0x7f: {  	_ =	shalt  }
0x80: {  	_ =	shalt  }
0x81: {  	_ =	shalt  }
0x82: {  	_ =	shalt  }
0x83: {  	_ =	shalt  }
0x84: {  	_ =	shalt  }
0x85: {  	_ =	shalt  }
0x86: {  	_ =	shalt  }
0x87: {  	_ =	shalt  }
.Lfunc_end0:
.L_simem_size_0:
called_computation_lowered:
.L_overlay_start_0:
0x88: {  	s2 =	sld [smem:$0x3FD9]  }
0x89: {  	s3 =	sld [smem:$0x3FFE];
	_ =	sdelay $0x1  }
0x8a: {  	s1 =	srdreg.scid  }
0x8b: {  	s0 =	sand.u32 $0x1, s1  }
0x8c: {  	s18 =	sshll.u32 s0, $0xA;
	s2 =	sadd.s32 s3, s2  }
0x8d: {  	s2 =	sadd.s32 s2, s18  }
0x8e: {  	[smem:$0x3FC6] =	sst s2  }
0x8f: {  	_ = 	snop  }
0x90: {  	s2 =	sld [smem:$0x3FC9]  }
0x91: {  	s19 =	sld [smem:$0x3FC8]  }
0x92: {  	s4 =	sld [smem:$0x3FD0];
	(tm) =	ssettm $0x1  }
0x93: {  	s5 =	sld [smem:$0x3FFB];
	_ =	sdelay $0x3  }
0x94: {  	_ =	strace s5  }
0x95: {  	s5 =	sld [smem:$0x3FFC];
	_ =	sdelay $0x3  }
0x96: {  	_ =	strace s5  }
0x97: {  	s5 =	sld [smem:$0x3FFD];
	_ =	sdelay $0x3  }
0x98: {  	_ =	strace s5  }
0x99: {  	_ =	strace $0x8FFFFFFF  }
0x9a: {  	s20 =	sld [smem:$0x3FDB];
	_ =	sdelay $0x1  }
0x9b: {  	s6 =	simm.s32 $_scs_section_size  }
0x9c: {  	s7 =	simm.s32 $_size__tile_overlayer_lowered;
	s8 =	simm.s32 $_tile_overlayer_lowered  }
0x9d: {  	s23 =	simm.s32 $0x1BFF;
	s22 =	sshll.u32 s8, $0x1;
	s5 =	sadd.s32 s6, s20  }
0x9e: {  	s9 =	simm.s32 $0x0;
	s21 =	sshll.u32 s7, $0x1;
	s7 =	sadd.s32 s22, s5  }
0x9f: {  	[timem:s9], [sflag:s23] =	dma.local [hbm:s7], s21  }
0xa0: {  	_ =	swait.ge [sflag:s23], s21  }
0xa1: {  	s6 =	ssub.s32 $0x0, s21;
	[sflag:s23] =	ssyncset.done $0x0  }
0xa2: {  	[sflag:s23] =	ssyncadd.s32 s6;
	_ =	sdelay $0x1  }
0xa3: {  	s24 =	simm.s32 $0x1B8B  }
0xa4: {  	_ =	swait.ge [sflag:s24], $0x1  }
0xa5: {  	[sflag:s24] =	ssyncset.done $0x0  }
0xa6: {  	s25 =	simm.s32 $0x1B8E;
	[sflag:s24] =	ssyncadd.s32 $0xFFFFFFFF  }
0xa7: {  	s26 =	simm.s32 $execute0_lowered;
	[smem:$0x3FD2] =	sst s25  }
0xa8: {  	s6 =	sshll.u32 s26, $0x1;
	_ =	strace $0x80000046;
	[dreg:$0x1] =	wrdreg $0xFFFFFFFF  }
0xa9: {  	s28 =	simm.s32 $_size_execute0_lowered;
	s5 =	sadd.s32 s5, s6;
	[dreg:$0x0] =	wrdreg $0x0  }
0xaa: {  	s6 =	sshll.u32 s28, $0x1;
	[dreg:$0x2] =	wrdreg s5  }
0xab: {  	[dreg:$0x3] =	wrdreg s6  }
0xac: {  	[dreg:$0x4] =	wrdreg $0xC0  }
0xad: {  	_ =	task [dreg:s9], $0x5FFFF  }
0xae: {  	[dreg:$0x1] =	wrdreg $0xFFFFFFFF  }
0xaf: {  	[dreg:$0x0] =	wrdreg $0x60  }
0xb0: {  	[dreg:$0x2] =	wrdreg s2  }
0xb1: {  	[dreg:$0x3] =	wrdreg s19  }
0xb2: {  	[dreg:$0x4] =	wrdreg s4  }
0xb3: {  	[dreg:$0x5] =	wrdreg $0x9  }
0xb4: {  	_ =	task.clear_ibuf [dreg:s9], $0x6FFFF;
	_ =	strace $0x90000046  }
0xb5: {  	s29 =	simm.s32 $0x9;
	_ =	strace $0x80000048  }
0xb6: {  	_ =	swait.ge [sflag:s29], $0x1  }
0xb7: {  	[sflag:s29] =	ssyncadd.s32 $0xFFFFFFFF  }
0xb8: {  	_ =	strace $0x90000048  }
0xb9: {  	_ =	sfence  }
0xba: {  	s30 =	sld [smem:$0x0];
	_ =	sdelay $0x2  }
0xbb: {  	s31 =	sshll.u32 s1, $0xD;
	s1 =	sshrl.u32 s1, $0x2  }
0xbc: {  	s3 =	sand.u32 $0x4000, s31;
	s1 =	sadd.s32 s1, s30  }
0xbd: {  	s0 =	sor.u32 s3, s0;
	s1 =	sshll.u32 s1, $0x11  }
0xbe: {  	s0 =	sor.u32 s1, s0  }
0xbf: {  	s0 =	sadd.s32 $0x8F2B, s0  }
0xc0: {  	[sflag:s0] =	ssyncadd.remote.s32 $0x1  }
0xc1: {  	_ =	sfence.sel $0xFFFF  }
0xc2: {  	[dreg:$0x0] =	wrdreg $0xFFFFFFFF;
	(pc) =	sbr.abs _section_cstart, $3  }
0xc3: {  	[dreg:$0x1] =	wrdreg $0xFFFFFFFF  }
0xc4: {  	_ =	task.clear_ibuf [dreg:s9], $0x2FFFF;
	_ =	strace $0x9FFFFFFF  }
0xc5: {  	(tm) =	ssettm $0x7FFFFFFF  }
tec
execute0_lowered:
.L_overlay_start_1:
0x0: {  	(tag) =	ssettag $0x1  }
0x1: {  	s1 =	srdreg.scid;
	s20 =	stileid.u32  }
0x2: {  	s4 =	rddreg [dreg:$0x0];
	s1 =	sand.u32 $0x1, s1;
	s2 =	sshll.u32 s20, $0x1  }
0x3: {  	s3 =	rddreg [dreg:$0x1];
	s2 =	sor.u32 s1, s2  }
0x4: {  	s6 =	rddreg [dreg:$0x2];
	s5 =	smul.u32 $0xC38, s2;
	s2 =	simm.s32 $0x0  }
0x5: {  	s22 =	simm.s32 $0x38;
	s23 =	simm.s32 $0xC00;
	[smem:$0x7FF] =	sst s2  }
0x6: {  	s24 =	simm.s32 $0x180;
	_ =	strace $0x80000047;
	[dreg:$0x15] =	wrdreg s22  }
0x7: {  	s26 =	simm.s32 $0x240;
	s5 =	smin.u32 s5, $0x17A68;
	[dreg:$0x16] =	wrdreg s23  }
0x8: {  	[dreg:$0x17] =	wrdreg s24;
	s7 =	sshrl.u32 s5, $0x3;
	s5 =	sshll.u32 s5, $0x4  }
0x9: {  	[dreg:$0x18] =	wrdreg s26;
	s4 =	sadd.s32 s4, s7;
	s25 =	sadd.s32 s6, s5  }
0xa: {  	[dreg:$0x4] =	wrdreg s4;
	s0 =	sadd.s32 $0xC00, s25  }
0xb: {  	s5 =	sadd.s32 $0x1800, s25;
	[dreg:$0x5] =	wrdreg s0  }
0xc: {  	s31 =	simm.s32 $0x480;
	s6 =	sadd.s32 $0x2400, s25;
	[dreg:$0x6] =	wrdreg s5  }
0xd: {  	s30 =	simm.s32 $0x540;
	s7 =	sadd.s32 $0x3000, s25;
	[dreg:$0x7] =	wrdreg s6  }
0xe: {  	s29 =	simm.s32 $0x600;
	s8 =	sadd.s32 $0x3C00, s25;
	[dreg:$0x8] =	wrdreg s7  }
0xf: {  	s28 =	simm.s32 $0x6C0;
	s9 =	sadd.s32 $0x4800, s25;
	[dreg:$0x9] =	wrdreg s8  }
0x10: {  	p0 =	por $0x0, $0x0;
	s10 =	sadd.s32 $0x5400, s25;
	[dreg:$0xa] =	wrdreg s9  }
0x11: {  	s1 =	ssub.s32 $0x2, s1;
	s11 =	sadd.s32 $0x6000, s25;
	[dreg:$0xb] =	wrdreg s10  }
0x12: {  	s21 =	sshrl.u32 s1, $0x1;
	s12 =	sadd.s32 $0x6C00, s25;
	[dreg:$0xc] =	wrdreg s11  }
0x13: {  	s1 =	ssub.s32 s1, s21;
	s13 =	sadd.s32 $0x7800, s25;
	[dreg:$0xd] =	wrdreg s12  }
0x14: {  	s21 =	simm.s32 $0xA80;
	s14 =	sadd.s32 $0x8400, s25;
	[dreg:$0xe] =	wrdreg s13  }
0x15: {  	s1 =	smax.u32 s1, $0x1;
	s15 =	sadd.s32 $0x9000, s25;
	[dreg:$0xf] =	wrdreg s14  }
0x16: {  	s26 =	simm.s32 $0x780;
	s16 =	sadd.s32 $0x9C00, s25;
	[dreg:$0x10] =	wrdreg s15  }
0x17: {  	s24 =	simm.s32 $0x840;
	s17 =	sadd.s32 $0xA800, s25;
	[dreg:$0x11] =	wrdreg s16  }
0x18: {  	s23 =	simm.s32 $0x900;
	s18 =	sadd.s32 $0xB400, s25;
	[dreg:$0x12] =	wrdreg s17  }
0x19: {  	s22 =	simm.s32 $0x9C0;
	s19 =	sadd.s32 $0xC000, s25;
	[dreg:$0x13] =	wrdreg s18  }
0x1a: {  	p1 =	sne.s32 s1, $0x1;
	s4 =	simm.s32 $0xA;
	[dreg:$0x14] =	wrdreg s19  }
0x1b: {  	s5 =	simm.s32 $0x18C80;
	s13 =	simm.s32 $0xC0;
	s17 =	simm.s32 $0xC80  }
0x1c: {  	s12 =	simm.s32 $0x6C80;
	s10 =	simm.s32 $0xCC80;
	s19 =	simm.s32 $0x1  }
.Ltmp0:
0x1d: {  	s6 =	simm.s32 $0x12C80;
	s8 =	simm.s32 $0x300;
	(pc) =	sbr.rel @!p1 .LBB2_5-.Ltmp0, $4  }
0x1e: {  	s18 =	simm.s32 $0x2;
	s7 =	simm.s32 $0x5;
	s16 =	simm.s32 $0x3  }
0x1f: {  	s9 =	simm.s32 $0x3C0;
	s15 =	simm.s32 $0x4;
	s11 =	simm.s32 $0x7  }
0x20: {  	s0 =	sadd.s32 $0xFFFFFFFF, s1;
	s14 =	simm.s32 $0x9;
	[dreg:$0x19] =	wrdreg s8  }
0x21: {  	s8 =	simm.s32 $0x6;
	[dreg:$0x1a] =	wrdreg s9;
	s9 =	simm.s32 $0x8  }
0x22: {  	s1 =	rddreg [dreg:$0x4]  }
0x23: {  	[tilespmem:s2], [sflag:$0xA] =	stream.linear.gather [hbm4b:s1+s2], $0xC38, $0x38;
	[tilespmem:$0x1A880] =	vst v63  }
0x24: {  	_ =	swait.ge [sflag:s4], $0xC38  }
0x25: {  	s20 =	smov.u32 s0;
	s0 =	rddreg [dreg:$0x15];
	[sflag:s4] =	ssyncset.done $0x0  }
0x26: {  	s1 =	rddreg [dreg:$0x16];
	[sflag:s4] =	ssyncadd.s32 $0xFFFFF3C8  }
0x27: {  	[tilespmem:s5], [sflag:$0x9] =	stream.indirect.gather [hbm4b:s3+s0], $0x80, s1, s0, $0xb8;
	[tilespmem:$0x1A880] =	vst v63  }
0x28: {  	_ = 	snop  }
0x29: {  	[tilespmem:s17], [sflag:$0x1] =	stream.indirect.gather [hbm4b:s3+s13], $0x80, s2, s13, $0xb8;
	[tilespmem:$0x1A880] =	vst v63  }
0x2a: {  	_ = 	snop  }
0x2b: {  	[tilespmem:s12], [sflag:$0x2] =	stream.indirect.gather [hbm4b:s3+s13], $0x80, s13, s13, $0xb8;
	[tilespmem:$0x1A880] =	vst v63  }
0x2c: {  	s1 =	rddreg [dreg:$0x17]  }
0x2d: {  	[tilespmem:s10], [sflag:$0x3] =	stream.indirect.gather [hbm4b:s3+s13], $0x80, s1, s13, $0xb8;
	[tilespmem:$0x1A880] =	vst v63  }
0x2e: {  	_ =	swait.ge [sflag:s19], $0x6000  }
0x2f: {  	[sflag:s19] =	ssyncset.done $0x0  }
0x30: {  	[sflag:s19] =	ssyncadd.s32 $0xFFFFA000  }
0x31: {  	[hbm4b:s25+s2] =	stream.linear.scatter [tilespmem:s17], [sflag:$0x5], $0x6000, $0x38;
	[tilespmem:$0x1A880] =	vst v63  }
0x32: {  	s1 =	rddreg [dreg:$0x18]  }
0x33: {  	[tilespmem:s6], [sflag:$0x4] =	stream.indirect.gather [hbm4b:s3+s13], $0x80, s1, s13, $0xb8;
	[tilespmem:$0x1A880] =	vst v63  }
0x34: {  	_ =	swait.ge [sflag:s18], $0x6000  }
0x35: {  	[sflag:s18] =	ssyncset.done $0x0  }
0x36: {  	s1 =	rddreg [dreg:$0x5];
	[sflag:s18] =	ssyncadd.s32 $0xFFFFA000  }
0x37: {  	[hbm4b:s1+s2] =	stream.linear.scatter [tilespmem:s12], [sflag:$0x6], $0x6000, $0x38;
	[tilespmem:$0x1A880] =	vst v63  }
0x38: {  	_ =	swait.ge [sflag:s7], $0x6000  }
0x39: {  	[sflag:s7] =	ssyncset.done $0x0  }
0x3a: {  	s1 =	rddreg [dreg:$0x19];
	[sflag:s7] =	ssyncadd.s32 $0xFFFFA000  }
0x3b: {  	[tilespmem:s17], [sflag:$0x1] =	stream.indirect.gather [hbm4b:s3+s13], $0x80, s1, s13, $0xb8;
	[tilespmem:$0x1A880] =	vst v63  }
0x3c: {  	_ =	swait.ge [sflag:s16], $0x6000  }
0x3d: {  	[sflag:s16] =	ssyncset.done $0x0  }
0x3e: {  	s1 =	rddreg [dreg:$0x6];
	[sflag:s16] =	ssyncadd.s32 $0xFFFFA000  }
0x3f: {  	[hbm4b:s1+s2] =	stream.linear.scatter [tilespmem:s10], [sflag:$0x7], $0x6000, $0x38;
	[tilespmem:$0x1A880] =	vst v63  }
0x40: {  	_ =	swait.ge [sflag:s8], $0x6000  }
0x41: {  	[sflag:s8] =	ssyncset.done $0x0  }
0x42: {  	s1 =	rddreg [dreg:$0x1a];
	[sflag:s8] =	ssyncadd.s32 $0xFFFFA000  }
0x43: {  	[tilespmem:s12], [sflag:$0x2] =	stream.indirect.gather [hbm4b:s3+s13], $0x80, s1, s13, $0xb8;
	[tilespmem:$0x1A880] =	vst v63  }
0x44: {  	_ =	swait.ge [sflag:s15], $0x6000  }
0x45: {  	[sflag:s15] =	ssyncset.done $0x0  }
0x46: {  	s1 =	rddreg [dreg:$0x7];
	[sflag:s15] =	ssyncadd.s32 $0xFFFFA000  }
0x47: {  	[hbm4b:s1+s2] =	stream.linear.scatter [tilespmem:s6], [sflag:$0x8], $0x6000, $0x38;
	[tilespmem:$0x1A880] =	vst v63  }
0x48: {  	_ =	swait.ge [sflag:s11], $0x6000  }
0x49: {  	[sflag:s11] =	ssyncset.done $0x0  }
0x4a: {  	[sflag:s11] =	ssyncadd.s32 $0xFFFFA000  }
0x4b: {  	[tilespmem:s10], [sflag:$0x3] =	stream.indirect.gather [hbm4b:s3+s13], $0x80, s31, s13, $0xb8;
	[tilespmem:$0x1A880] =	vst v63  }
0x4c: {  	_ =	swait.ge [sflag:s19], $0x6000  }
0x4d: {  	[sflag:s19] =	ssyncset.done $0x0  }
0x4e: {  	s1 =	rddreg [dreg:$0x8];
	[sflag:s19] =	ssyncadd.s32 $0xFFFFA000  }
0x4f: {  	[hbm4b:s1+s2] =	stream.linear.scatter [tilespmem:s17], [sflag:$0x5], $0x6000, $0x38;
	[tilespmem:$0x1A880] =	vst v63  }
0x50: {  	_ =	swait.ge [sflag:s9], $0x6000  }
0x51: {  	[sflag:s9] =	ssyncset.done $0x0  }
0x52: {  	[sflag:s9] =	ssyncadd.s32 $0xFFFFA000  }
0x53: {  	[tilespmem:s6], [sflag:$0x4] =	stream.indirect.gather [hbm4b:s3+s13], $0x80, s30, s13, $0xb8;
	[tilespmem:$0x1A880] =	vst v63  }
0x54: {  	_ =	swait.ge [sflag:s18], $0x6000  }
0x55: {  	[sflag:s18] =	ssyncset.done $0x0  }
0x56: {  	s1 =	rddreg [dreg:$0x9];
	[sflag:s18] =	ssyncadd.s32 $0xFFFFA000  }
0x57: {  	[hbm4b:s1+s2] =	stream.linear.scatter [tilespmem:s12], [sflag:$0x6], $0x6000, $0x38;
	[tilespmem:$0x1A880] =	vst v63  }
0x58: {  	_ =	swait.ge [sflag:s7], $0x6000  }
0x59: {  	[sflag:s7] =	ssyncset.done $0x0  }
0x5a: {  	[sflag:s7] =	ssyncadd.s32 $0xFFFFA000  }
0x5b: {  	[tilespmem:s17], [sflag:$0x1] =	stream.indirect.gather [hbm4b:s3+s13], $0x80, s29, s13, $0xb8;
	[tilespmem:$0x1A880] =	vst v63  }
0x5c: {  	_ =	swait.ge [sflag:s16], $0x6000  }
0x5d: {  	[sflag:s16] =	ssyncset.done $0x0  }
0x5e: {  	s1 =	rddreg [dreg:$0xa];
	[sflag:s16] =	ssyncadd.s32 $0xFFFFA000  }
0x5f: {  	[hbm4b:s1+s2] =	stream.linear.scatter [tilespmem:s10], [sflag:$0x7], $0x6000, $0x38;
	[tilespmem:$0x1A880] =	vst v63  }
0x60: {  	_ =	swait.ge [sflag:s8], $0x6000  }
0x61: {  	[sflag:s8] =	ssyncset.done $0x0  }
0x62: {  	[sflag:s8] =	ssyncadd.s32 $0xFFFFA000  }
0x63: {  	[tilespmem:s12], [sflag:$0x2] =	stream.indirect.gather [hbm4b:s3+s13], $0x80, s28, s13, $0xb8;
	[tilespmem:$0x1A880] =	vst v63  }
0x64: {  	_ =	swait.ge [sflag:s15], $0x6000  }
0x65: {  	[sflag:s15] =	ssyncset.done $0x0  }
0x66: {  	s1 =	rddreg [dreg:$0xb];
	[sflag:s15] =	ssyncadd.s32 $0xFFFFA000  }
0x67: {  	[hbm4b:s1+s2] =	stream.linear.scatter [tilespmem:s6], [sflag:$0x8], $0x6000, $0x38;
	[tilespmem:$0x1A880] =	vst v63  }
0x68: {  	_ =	swait.ge [sflag:s11], $0x6000  }
0x69: {  	[sflag:s11] =	ssyncset.done $0x0  }
0x6a: {  	[sflag:s11] =	ssyncadd.s32 $0xFFFFA000  }
0x6b: {  	[tilespmem:s10], [sflag:$0x3] =	stream.indirect.gather [hbm4b:s3+s13], $0x80, s26, s13, $0xb8;
	[tilespmem:$0x1A880] =	vst v63  }
0x6c: {  	_ =	swait.ge [sflag:s19], $0x6000  }
0x6d: {  	[sflag:s19] =	ssyncset.done $0x0  }
0x6e: {  	s1 =	rddreg [dreg:$0xc];
	[sflag:s19] =	ssyncadd.s32 $0xFFFFA000  }
0x6f: {  	[hbm4b:s1+s2] =	stream.linear.scatter [tilespmem:s17], [sflag:$0x5], $0x6000, $0x38;
	[tilespmem:$0x1A880] =	vst v63  }
0x70: {  	_ =	swait.ge [sflag:s9], $0x6000  }
0x71: {  	[sflag:s9] =	ssyncset.done $0x0  }
0x72: {  	[sflag:s9] =	ssyncadd.s32 $0xFFFFA000  }
0x73: {  	[tilespmem:s6], [sflag:$0x4] =	stream.indirect.gather [hbm4b:s3+s13], $0x80, s24, s13, $0xb8;
	[tilespmem:$0x1A880] =	vst v63  }
0x74: {  	_ =	swait.ge [sflag:s18], $0x6000  }
0x75: {  	[sflag:s18] =	ssyncset.done $0x0  }
0x76: {  	s1 =	rddreg [dreg:$0xd];
	[sflag:s18] =	ssyncadd.s32 $0xFFFFA000  }
0x77: {  	[hbm4b:s1+s2] =	stream.linear.scatter [tilespmem:s12], [sflag:$0x6], $0x6000, $0x38;
	[tilespmem:$0x1A880] =	vst v63  }
0x78: {  	_ =	swait.ge [sflag:s7], $0x6000  }
0x79: {  	[sflag:s7] =	ssyncset.done $0x0  }
0x7a: {  	[sflag:s7] =	ssyncadd.s32 $0xFFFFA000  }
0x7b: {  	[tilespmem:s17], [sflag:$0x1] =	stream.indirect.gather [hbm4b:s3+s13], $0x80, s23, s13, $0xb8;
	[tilespmem:$0x1A880] =	vst v63  }
0x7c: {  	_ =	swait.ge [sflag:s16], $0x6000  }
0x7d: {  	[sflag:s16] =	ssyncset.done $0x0  }
0x7e: {  	s1 =	rddreg [dreg:$0xe];
	[sflag:s16] =	ssyncadd.s32 $0xFFFFA000  }
0x7f: {  	[hbm4b:s1+s2] =	stream.linear.scatter [tilespmem:s10], [sflag:$0x7], $0x6000, $0x38;
	[tilespmem:$0x1A880] =	vst v63  }
0x80: {  	_ =	swait.ge [sflag:s8], $0x6000  }
0x81: {  	[sflag:s8] =	ssyncset.done $0x0  }
0x82: {  	[sflag:s8] =	ssyncadd.s32 $0xFFFFA000  }
0x83: {  	[tilespmem:s12], [sflag:$0x2] =	stream.indirect.gather [hbm4b:s3+s13], $0x80, s22, s13, $0xb8;
	[tilespmem:$0x1A880] =	vst v63  }
0x84: {  	_ =	swait.ge [sflag:s15], $0x6000  }
0x85: {  	[sflag:s15] =	ssyncset.done $0x0  }
0x86: {  	s1 =	rddreg [dreg:$0xf];
	[sflag:s15] =	ssyncadd.s32 $0xFFFFA000  }
0x87: {  	[hbm4b:s1+s2] =	stream.linear.scatter [tilespmem:s6], [sflag:$0x8], $0x6000, $0x38;
	[tilespmem:$0x1A880] =	vst v63  }
0x88: {  	_ =	swait.ge [sflag:s11], $0x6000  }
0x89: {  	[sflag:s11] =	ssyncset.done $0x0  }
0x8a: {  	[sflag:s11] =	ssyncadd.s32 $0xFFFFA000  }
0x8b: {  	[tilespmem:s10], [sflag:$0x3] =	stream.indirect.gather [hbm4b:s3+s13], $0x80, s21, s13, $0xb8;
	[tilespmem:$0x1A880] =	vst v63  }
0x8c: {  	_ =	swait.ge [sflag:s19], $0x6000  }
0x8d: {  	[sflag:s19] =	ssyncset.done $0x0  }
0x8e: {  	s1 =	rddreg [dreg:$0x10];
	[sflag:s19] =	ssyncadd.s32 $0xFFFFA000  }
0x8f: {  	[hbm4b:s1+s2] =	stream.linear.scatter [tilespmem:s17], [sflag:$0x5], $0x6000, $0x38;
	[tilespmem:$0x1A880] =	vst v63  }
0x90: {  	_ =	swait.ge [sflag:s9], $0x6000  }
0x91: {  	[sflag:s9] =	ssyncset.done $0x0  }
0x92: {  	s1 =	simm.s32 $0xB40;
	[sflag:s9] =	ssyncadd.s32 $0xFFFFA000  }
0x93: {  	[tilespmem:s6], [sflag:$0x4] =	stream.indirect.gather [hbm4b:s3+s13], $0x80, s1, s13, $0xb8;
	[tilespmem:$0x1A880] =	vst v63  }
0x94: {  	_ =	swait.ge [sflag:s18], $0x6000  }
0x95: {  	[sflag:s18] =	ssyncset.done $0x0  }
0x96: {  	s1 =	rddreg [dreg:$0x11];
	[sflag:s18] =	ssyncadd.s32 $0xFFFFA000  }
0x97: {  	[hbm4b:s1+s2] =	stream.linear.scatter [tilespmem:s12], [sflag:$0x6], $0x6000, $0x38;
	[tilespmem:$0x1A880] =	vst v63  }
0x98: {  	_ =	swait.ge [sflag:s16], $0x6000  }
0x99: {  	[sflag:s16] =	ssyncset.done $0x0  }
0x9a: {  	s1 =	rddreg [dreg:$0x12];
	[sflag:s16] =	ssyncadd.s32 $0xFFFFA000  }
0x9b: {  	[hbm4b:s1+s2] =	stream.linear.scatter [tilespmem:s10], [sflag:$0x7], $0x6000, $0x38;
	[tilespmem:$0x1A880] =	vst v63  }
0x9c: {  	_ =	swait.ge [sflag:s15], $0x6000  }
0x9d: {  	[sflag:s15] =	ssyncset.done $0x0  }
0x9e: {  	s1 =	rddreg [dreg:$0x13];
	[sflag:s15] =	ssyncadd.s32 $0xFFFFA000  }
0x9f: {  	[hbm4b:s1+s2] =	stream.linear.scatter [tilespmem:s6], [sflag:$0x8], $0x6000, $0x38;
	[tilespmem:$0x1A880] =	vst v63  }
0xa0: {  	_ =	swait.ge [sflag:s7], $0x6000  }
0xa1: {  	[sflag:s7] =	ssyncset.done $0x0  }
0xa2: {  	[sflag:s7] =	ssyncadd.s32 $0xFFFFA000  }
0xa3: {  	_ =	swait.ge [sflag:s8], $0x6000  }
0xa4: {  	[sflag:s8] =	ssyncset.done $0x0  }
0xa5: {  	[sflag:s8] =	ssyncadd.s32 $0xFFFFA000  }
0xa6: {  	_ =	swait.ge [sflag:s11], $0x6000  }
0xa7: {  	[sflag:s11] =	ssyncset.done $0x0  }
0xa8: {  	[sflag:s11] =	ssyncadd.s32 $0xFFFFA000  }
0xa9: {  	_ =	swait.ge [sflag:s9], $0x6000  }
0xaa: {  	[sflag:s9] =	ssyncset.done $0x0  }
0xab: {  	p1 =	sne.s32 s20, $0x1;
	[sflag:s9] =	ssyncadd.s32 $0xFFFFA000  }
.Ltmp1:
0xac: {  	_ =	swait.ge [sflag:s14], $0x1C00;
	(pc) =	sbr.rel @!p1 .LBB2_2-.Ltmp1, $4  }
0xad: {  	[sflag:s14] =	ssyncset.done $0x0  }
0xae: {  	s1 =	rddreg [dreg:$0x14];
	[sflag:s14] =	ssyncadd.s32 $0xFFFFE400  }
0xaf: {  	[hbm4b:s1+s2] =	stream.linear.scatter [tilespmem:s5], [sflag:$0xA], $0x1C00, $0x38;
	[tilespmem:$0x1A880] =	vst v63  }
0xb0: {  	p0 =	por $0x1, $0x1;
	s1 =	sadd.s32 $0xFFFFFFFF, s20;
	_ =	swait.ge [sflag:s4], $0x1C00  }
.LBB2_3:
0xb1: {  	[sflag:s4] =	ssyncset.done $0x0  }
0xb2: {  	s0 =	rddreg [dreg:$0x4];
	[sflag:s4] =	ssyncadd.s32 $0xFFFFE400  }
0xb3: {  	[tilespmem:s2], [sflag:$0xA] =	stream.linear.gather [hbm4b:s0+s2], $0xC38, $0x38;
	[tilespmem:$0x1A880] =	vst v63  }
0xb4: {  	_ =	swait.ge [sflag:s4], $0xC38  }
0xb5: {  	s0 =	rddreg [dreg:$0x15];
	[sflag:s4] =	ssyncset.done $0x0  }
0xb6: {  	s20 =	rddreg [dreg:$0x16];
	[sflag:s4] =	ssyncadd.s32 $0xFFFFF3C8  }
0xb7: {  	[tilespmem:s5], [sflag:$0x9] =	stream.indirect.gather [hbm4b:s3+s0], $0x80, s20, s0, $0xb8;
	[tilespmem:$0x1A880] =	vst v63  }
0xb8: {  	_ = 	snop  }
0xb9: {  	[tilespmem:s17], [sflag:$0x1] =	stream.indirect.gather [hbm4b:s3+s13], $0x80, s2, s13, $0xb8;
	[tilespmem:$0x1A880] =	vst v63  }
0xba: {  	_ = 	snop  }
0xbb: {  	[tilespmem:s12], [sflag:$0x2] =	stream.indirect.gather [hbm4b:s3+s13], $0x80, s13, s13, $0xb8;
	[tilespmem:$0x1A880] =	vst v63  }
0xbc: {  	s20 =	rddreg [dreg:$0x17]  }
0xbd: {  	[tilespmem:s10], [sflag:$0x3] =	stream.indirect.gather [hbm4b:s3+s13], $0x80, s20, s13, $0xb8;
	[tilespmem:$0x1A880] =	vst v63  }
0xbe: {  	_ =	swait.ge [sflag:s19], $0x6000  }
0xbf: {  	[sflag:s19] =	ssyncset.done $0x0  }
0xc0: {  	[sflag:s19] =	ssyncadd.s32 $0xFFFFA000  }
0xc1: {  	[hbm4b:s25+s2] =	stream.linear.scatter [tilespmem:s17], [sflag:$0x5], $0x6000, $0x38;
	[tilespmem:$0x1A880] =	vst v63  }
0xc2: {  	s20 =	rddreg [dreg:$0x18]  }
0xc3: {  	[tilespmem:s6], [sflag:$0x4] =	stream.indirect.gather [hbm4b:s3+s13], $0x80, s20, s13, $0xb8;
	[tilespmem:$0x1A880] =	vst v63  }
0xc4: {  	_ =	swait.ge [sflag:s18], $0x6000  }
0xc5: {  	[sflag:s18] =	ssyncset.done $0x0  }
0xc6: {  	s20 =	rddreg [dreg:$0x5];
	[sflag:s18] =	ssyncadd.s32 $0xFFFFA000  }
0xc7: {  	[hbm4b:s20+s2] =	stream.linear.scatter [tilespmem:s12], [sflag:$0x6], $0x6000, $0x38;
	[tilespmem:$0x1A880] =	vst v63  }
0xc8: {  	_ =	swait.ge [sflag:s7], $0x6000  }
0xc9: {  	[sflag:s7] =	ssyncset.done $0x0  }
0xca: {  	s20 =	rddreg [dreg:$0x19];
	[sflag:s7] =	ssyncadd.s32 $0xFFFFA000  }
0xcb: {  	[tilespmem:s17], [sflag:$0x1] =	stream.indirect.gather [hbm4b:s3+s13], $0x80, s20, s13, $0xb8;
	[tilespmem:$0x1A880] =	vst v63  }
0xcc: {  	_ =	swait.ge [sflag:s16], $0x6000  }
0xcd: {  	[sflag:s16] =	ssyncset.done $0x0  }
0xce: {  	s20 =	rddreg [dreg:$0x6];
	[sflag:s16] =	ssyncadd.s32 $0xFFFFA000  }
0xcf: {  	[hbm4b:s20+s2] =	stream.linear.scatter [tilespmem:s10], [sflag:$0x7], $0x6000, $0x38;
	[tilespmem:$0x1A880] =	vst v63  }
0xd0: {  	_ =	swait.ge [sflag:s8], $0x6000  }
0xd1: {  	[sflag:s8] =	ssyncset.done $0x0  }
0xd2: {  	s20 =	rddreg [dreg:$0x1a];
	[sflag:s8] =	ssyncadd.s32 $0xFFFFA000  }
0xd3: {  	[tilespmem:s12], [sflag:$0x2] =	stream.indirect.gather [hbm4b:s3+s13], $0x80, s20, s13, $0xb8;
	[tilespmem:$0x1A880] =	vst v63  }
0xd4: {  	_ =	swait.ge [sflag:s15], $0x6000  }
0xd5: {  	[sflag:s15] =	ssyncset.done $0x0  }
0xd6: {  	s20 =	rddreg [dreg:$0x7];
	[sflag:s15] =	ssyncadd.s32 $0xFFFFA000  }
0xd7: {  	[hbm4b:s20+s2] =	stream.linear.scatter [tilespmem:s6], [sflag:$0x8], $0x6000, $0x38;
	[tilespmem:$0x1A880] =	vst v63  }
0xd8: {  	_ =	swait.ge [sflag:s11], $0x6000  }
0xd9: {  	[sflag:s11] =	ssyncset.done $0x0  }
0xda: {  	[sflag:s11] =	ssyncadd.s32 $0xFFFFA000  }
0xdb: {  	[tilespmem:s10], [sflag:$0x3] =	stream.indirect.gather [hbm4b:s3+s13], $0x80, s31, s13, $0xb8;
	[tilespmem:$0x1A880] =	vst v63  }
0xdc: {  	_ =	swait.ge [sflag:s19], $0x6000  }
0xdd: {  	[sflag:s19] =	ssyncset.done $0x0  }
0xde: {  	s20 =	rddreg [dreg:$0x8];
	[sflag:s19] =	ssyncadd.s32 $0xFFFFA000  }
0xdf: {  	[hbm4b:s20+s2] =	stream.linear.scatter [tilespmem:s17], [sflag:$0x5], $0x6000, $0x38;
	[tilespmem:$0x1A880] =	vst v63  }
0xe0: {  	_ =	swait.ge [sflag:s9], $0x6000  }
0xe1: {  	[sflag:s9] =	ssyncset.done $0x0  }
0xe2: {  	[sflag:s9] =	ssyncadd.s32 $0xFFFFA000  }
0xe3: {  	[tilespmem:s6], [sflag:$0x4] =	stream.indirect.gather [hbm4b:s3+s13], $0x80, s30, s13, $0xb8;
	[tilespmem:$0x1A880] =	vst v63  }
0xe4: {  	_ =	swait.ge [sflag:s18], $0x6000  }
0xe5: {  	[sflag:s18] =	ssyncset.done $0x0  }
0xe6: {  	s20 =	rddreg [dreg:$0x9];
	[sflag:s18] =	ssyncadd.s32 $0xFFFFA000  }
0xe7: {  	[hbm4b:s20+s2] =	stream.linear.scatter [tilespmem:s12], [sflag:$0x6], $0x6000, $0x38;
	[tilespmem:$0x1A880] =	vst v63  }
0xe8: {  	_ =	swait.ge [sflag:s7], $0x6000  }
0xe9: {  	[sflag:s7] =	ssyncset.done $0x0  }
0xea: {  	[sflag:s7] =	ssyncadd.s32 $0xFFFFA000  }
0xeb: {  	[tilespmem:s17], [sflag:$0x1] =	stream.indirect.gather [hbm4b:s3+s13], $0x80, s29, s13, $0xb8;
	[tilespmem:$0x1A880] =	vst v63  }
0xec: {  	_ =	swait.ge [sflag:s16], $0x6000  }
0xed: {  	[sflag:s16] =	ssyncset.done $0x0  }
0xee: {  	s20 =	rddreg [dreg:$0xa];
	[sflag:s16] =	ssyncadd.s32 $0xFFFFA000  }
0xef: {  	[hbm4b:s20+s2] =	stream.linear.scatter [tilespmem:s10], [sflag:$0x7], $0x6000, $0x38;
	[tilespmem:$0x1A880] =	vst v63  }
0xf0: {  	_ =	swait.ge [sflag:s8], $0x6000  }
0xf1: {  	[sflag:s8] =	ssyncset.done $0x0  }
0xf2: {  	[sflag:s8] =	ssyncadd.s32 $0xFFFFA000  }
0xf3: {  	[tilespmem:s12], [sflag:$0x2] =	stream.indirect.gather [hbm4b:s3+s13], $0x80, s28, s13, $0xb8;
	[tilespmem:$0x1A880] =	vst v63  }
0xf4: {  	_ =	swait.ge [sflag:s15], $0x6000  }
0xf5: {  	[sflag:s15] =	ssyncset.done $0x0  }
0xf6: {  	s20 =	rddreg [dreg:$0xb];
	[sflag:s15] =	ssyncadd.s32 $0xFFFFA000  }
0xf7: {  	[hbm4b:s20+s2] =	stream.linear.scatter [tilespmem:s6], [sflag:$0x8], $0x6000, $0x38;
	[tilespmem:$0x1A880] =	vst v63  }
0xf8: {  	_ =	swait.ge [sflag:s11], $0x6000  }
0xf9: {  	[sflag:s11] =	ssyncset.done $0x0  }
0xfa: {  	[sflag:s11] =	ssyncadd.s32 $0xFFFFA000  }
0xfb: {  	[tilespmem:s10], [sflag:$0x3] =	stream.indirect.gather [hbm4b:s3+s13], $0x80, s26, s13, $0xb8;
	[tilespmem:$0x1A880] =	vst v63  }
0xfc: {  	_ =	swait.ge [sflag:s19], $0x6000  }
0xfd: {  	[sflag:s19] =	ssyncset.done $0x0  }
0xfe: {  	s20 =	rddreg [dreg:$0xc];
	[sflag:s19] =	ssyncadd.s32 $0xFFFFA000  }
0xff: {  	[hbm4b:s20+s2] =	stream.linear.scatter [tilespmem:s17], [sflag:$0x5], $0x6000, $0x38;
	[tilespmem:$0x1A880] =	vst v63  }
0x100: {  	_ =	swait.ge [sflag:s9], $0x6000  }
0x101: {  	[sflag:s9] =	ssyncset.done $0x0  }
0x102: {  	[sflag:s9] =	ssyncadd.s32 $0xFFFFA000  }
0x103: {  	[tilespmem:s6], [sflag:$0x4] =	stream.indirect.gather [hbm4b:s3+s13], $0x80, s24, s13, $0xb8;
	[tilespmem:$0x1A880] =	vst v63  }
0x104: {  	_ =	swait.ge [sflag:s18], $0x6000  }
0x105: {  	[sflag:s18] =	ssyncset.done $0x0  }
0x106: {  	s20 =	rddreg [dreg:$0xd];
	[sflag:s18] =	ssyncadd.s32 $0xFFFFA000  }
0x107: {  	[hbm4b:s20+s2] =	stream.linear.scatter [tilespmem:s12], [sflag:$0x6], $0x6000, $0x38;
	[tilespmem:$0x1A880] =	vst v63  }
0x108: {  	_ =	swait.ge [sflag:s7], $0x6000  }
0x109: {  	[sflag:s7] =	ssyncset.done $0x0  }
0x10a: {  	[sflag:s7] =	ssyncadd.s32 $0xFFFFA000  }
0x10b: {  	[tilespmem:s17], [sflag:$0x1] =	stream.indirect.gather [hbm4b:s3+s13], $0x80, s23, s13, $0xb8;
	[tilespmem:$0x1A880] =	vst v63  }
0x10c: {  	_ =	swait.ge [sflag:s16], $0x6000  }
0x10d: {  	[sflag:s16] =	ssyncset.done $0x0  }
0x10e: {  	s20 =	rddreg [dreg:$0xe];
	[sflag:s16] =	ssyncadd.s32 $0xFFFFA000  }
0x10f: {  	[hbm4b:s20+s2] =	stream.linear.scatter [tilespmem:s10], [sflag:$0x7], $0x6000, $0x38;
	[tilespmem:$0x1A880] =	vst v63  }
0x110: {  	_ =	swait.ge [sflag:s8], $0x6000  }
0x111: {  	[sflag:s8] =	ssyncset.done $0x0  }
0x112: {  	[sflag:s8] =	ssyncadd.s32 $0xFFFFA000  }
0x113: {  	[tilespmem:s12], [sflag:$0x2] =	stream.indirect.gather [hbm4b:s3+s13], $0x80, s22, s13, $0xb8;
	[tilespmem:$0x1A880] =	vst v63  }
0x114: {  	_ =	swait.ge [sflag:s15], $0x6000  }
0x115: {  	[sflag:s15] =	ssyncset.done $0x0  }
0x116: {  	s20 =	rddreg [dreg:$0xf];
	[sflag:s15] =	ssyncadd.s32 $0xFFFFA000  }
0x117: {  	[hbm4b:s20+s2] =	stream.linear.scatter [tilespmem:s6], [sflag:$0x8], $0x6000, $0x38;
	[tilespmem:$0x1A880] =	vst v63  }
0x118: {  	_ =	swait.ge [sflag:s11], $0x6000  }
0x119: {  	[sflag:s11] =	ssyncset.done $0x0  }
0x11a: {  	[sflag:s11] =	ssyncadd.s32 $0xFFFFA000  }
0x11b: {  	[tilespmem:s10], [sflag:$0x3] =	stream.indirect.gather [hbm4b:s3+s13], $0x80, s21, s13, $0xb8;
	[tilespmem:$0x1A880] =	vst v63  }
0x11c: {  	_ =	swait.ge [sflag:s19], $0x6000  }
0x11d: {  	[sflag:s19] =	ssyncset.done $0x0  }
0x11e: {  	s20 =	rddreg [dreg:$0x10];
	[sflag:s19] =	ssyncadd.s32 $0xFFFFA000  }
0x11f: {  	[hbm4b:s20+s2] =	stream.linear.scatter [tilespmem:s17], [sflag:$0x5], $0x6000, $0x38;
	[tilespmem:$0x1A880] =	vst v63  }
0x120: {  	_ =	swait.ge [sflag:s9], $0x6000  }
0x121: {  	[sflag:s9] =	ssyncset.done $0x0  }
0x122: {  	s20 =	simm.s32 $0xB40;
	[sflag:s9] =	ssyncadd.s32 $0xFFFFA000  }
0x123: {  	[tilespmem:s6], [sflag:$0x4] =	stream.indirect.gather [hbm4b:s3+s13], $0x80, s20, s13, $0xb8;
	[tilespmem:$0x1A880] =	vst v63  }
0x124: {  	_ =	swait.ge [sflag:s18], $0x6000  }
0x125: {  	[sflag:s18] =	ssyncset.done $0x0  }
0x126: {  	s20 =	rddreg [dreg:$0x11];
	[sflag:s18] =	ssyncadd.s32 $0xFFFFA000  }
0x127: {  	[hbm4b:s20+s2] =	stream.linear.scatter [tilespmem:s12], [sflag:$0x6], $0x6000, $0x38;
	[tilespmem:$0x1A880] =	vst v63  }
0x128: {  	_ =	swait.ge [sflag:s16], $0x6000  }
0x129: {  	[sflag:s16] =	ssyncset.done $0x0  }
0x12a: {  	s20 =	rddreg [dreg:$0x12];
	[sflag:s16] =	ssyncadd.s32 $0xFFFFA000  }
0x12b: {  	[hbm4b:s20+s2] =	stream.linear.scatter [tilespmem:s10], [sflag:$0x7], $0x6000, $0x38;
	[tilespmem:$0x1A880] =	vst v63  }
0x12c: {  	_ =	swait.ge [sflag:s15], $0x6000  }
0x12d: {  	[sflag:s15] =	ssyncset.done $0x0  }
0x12e: {  	s20 =	rddreg [dreg:$0x13];
	[sflag:s15] =	ssyncadd.s32 $0xFFFFA000  }
0x12f: {  	[hbm4b:s20+s2] =	stream.linear.scatter [tilespmem:s6], [sflag:$0x8], $0x6000, $0x38;
	[tilespmem:$0x1A880] =	vst v63  }
0x130: {  	_ =	swait.ge [sflag:s7], $0x6000  }
0x131: {  	[sflag:s7] =	ssyncset.done $0x0  }
0x132: {  	[sflag:s7] =	ssyncadd.s32 $0xFFFFA000  }
0x133: {  	_ =	swait.ge [sflag:s8], $0x6000  }
0x134: {  	[sflag:s8] =	ssyncset.done $0x0  }
0x135: {  	[sflag:s8] =	ssyncadd.s32 $0xFFFFA000  }
0x136: {  	_ =	swait.ge [sflag:s11], $0x6000  }
0x137: {  	[sflag:s11] =	ssyncset.done $0x0  }
0x138: {  	[sflag:s11] =	ssyncadd.s32 $0xFFFFA000  }
0x139: {  	_ =	swait.ge [sflag:s9], $0x6000  }
0x13a: {  	[sflag:s9] =	ssyncset.done $0x0  }
0x13b: {  	p1 =	sne.s32 s1, $0x1;
	[sflag:s9] =	ssyncadd.s32 $0xFFFFA000  }
.Ltmp2:
0x13c: {  	_ =	swait.ge [sflag:s14], $0x1C00;
	(pc) =	sbr.rel @p1 .LBB2_3-.Ltmp2, $4  }
0x13d: {  	[sflag:s14] =	ssyncset.done $0x0  }
0x13e: {  	s20 =	rddreg [dreg:$0x14];
	[sflag:s14] =	ssyncadd.s32 $0xFFFFE400  }
0x13f: {  	[hbm4b:s20+s2] =	stream.linear.scatter [tilespmem:s5], [sflag:$0xA], $0x1C00, $0x38;
	[tilespmem:$0x1A880] =	vst v63  }
0x140: {  	s1 =	sadd.s32 $0xFFFFFFFF, s1;
	_ =	swait.ge [sflag:s4], $0x1C00  }
0x141: {  	s20 =	stileid.u32  }
.LBB2_5:
0x142: {  	[sflag:s4] =	ssyncset.done @p0 $0x0  }
0x143: {  	s0 =	rddreg [dreg:$0x4];
	[sflag:s4] =	ssyncadd.s32 @p0 $0xFFFFE400  }
0x144: {  	[tilespmem:s2], [sflag:$0xA] =	stream.linear.gather [hbm4b:s0+s2], $0xC38, $0x38;
	[tilespmem:$0x1A880] =	vst v63  }
0x145: {  	_ =	swait.ge [sflag:s4], $0xC38  }
0x146: {  	s0 =	rddreg [dreg:$0x15];
	[sflag:s4] =	ssyncset.done $0x0  }
0x147: {  	s1 =	rddreg [dreg:$0x16];
	[sflag:s4] =	ssyncadd.s32 $0xFFFFF3C8  }
0x148: {  	[tilespmem:s5], [sflag:$0x9] =	stream.indirect.gather [hbm4b:s3+s0], $0x80, s1, s0, $0xb8;
	[tilespmem:$0x1A880] =	vst v63  }
0x149: {  	_ = 	snop  }
0x14a: {  	[tilespmem:s17], [sflag:$0x1] =	stream.indirect.gather [hbm4b:s3+s13], $0x80, s2, s13, $0xb8;
	[tilespmem:$0x1A880] =	vst v63  }
0x14b: {  	_ = 	snop  }
0x14c: {  	[tilespmem:s12], [sflag:$0x2] =	stream.indirect.gather [hbm4b:s3+s13], $0x80, s13, s13, $0xb8;
	[tilespmem:$0x1A880] =	vst v63  }
0x14d: {  	s1 =	rddreg [dreg:$0x17]  }
0x14e: {  	[tilespmem:s10], [sflag:$0x3] =	stream.indirect.gather [hbm4b:s3+s13], $0x80, s1, s13, $0xb8;
	[tilespmem:$0x1A880] =	vst v63  }
0x14f: {  	_ =	swait.ge [sflag:s19], $0x6000  }
0x150: {  	[sflag:s19] =	ssyncset.done $0x0  }
0x151: {  	[sflag:s19] =	ssyncadd.s32 $0xFFFFA000  }
0x152: {  	[hbm4b:s25+s2] =	stream.linear.scatter [tilespmem:s17], [sflag:$0x5], $0x6000, $0x38;
	[tilespmem:$0x1A880] =	vst v63  }
0x153: {  	s1 =	rddreg [dreg:$0x18]  }
0x154: {  	[tilespmem:s6], [sflag:$0x4] =	stream.indirect.gather [hbm4b:s3+s13], $0x80, s1, s13, $0xb8;
	[tilespmem:$0x1A880] =	vst v63  }
0x155: {  	_ =	swait.ge [sflag:s18], $0x6000  }
0x156: {  	[sflag:s18] =	ssyncset.done $0x0  }
0x157: {  	s25 =	rddreg [dreg:$0x5];
	[sflag:s18] =	ssyncadd.s32 $0xFFFFA000  }
0x158: {  	[hbm4b:s25+s2] =	stream.linear.scatter [tilespmem:s12], [sflag:$0x6], $0x6000, $0x38;
	[tilespmem:$0x1A880] =	vst v63  }
0x159: {  	_ =	swait.ge [sflag:s7], $0x6000  }
0x15a: {  	[sflag:s7] =	ssyncset.done $0x0  }
0x15b: {  	s1 =	rddreg [dreg:$0x19];
	[sflag:s7] =	ssyncadd.s32 $0xFFFFA000  }
0x15c: {  	[tilespmem:s17], [sflag:$0x1] =	stream.indirect.gather [hbm4b:s3+s13], $0x80, s1, s13, $0xb8;
	[tilespmem:$0x1A880] =	vst v63  }
0x15d: {  	_ =	swait.ge [sflag:s16], $0x6000  }
0x15e: {  	[sflag:s16] =	ssyncset.done $0x0  }
0x15f: {  	s25 =	rddreg [dreg:$0x6];
	[sflag:s16] =	ssyncadd.s32 $0xFFFFA000  }
0x160: {  	[hbm4b:s25+s2] =	stream.linear.scatter [tilespmem:s10], [sflag:$0x7], $0x6000, $0x38;
	[tilespmem:$0x1A880] =	vst v63  }
0x161: {  	_ =	swait.ge [sflag:s8], $0x6000  }
0x162: {  	[sflag:s8] =	ssyncset.done $0x0  }
0x163: {  	s1 =	rddreg [dreg:$0x1a];
	[sflag:s8] =	ssyncadd.s32 $0xFFFFA000  }
0x164: {  	[tilespmem:s12], [sflag:$0x2] =	stream.indirect.gather [hbm4b:s3+s13], $0x80, s1, s13, $0xb8;
	[tilespmem:$0x1A880] =	vst v63  }
0x165: {  	_ =	swait.ge [sflag:s15], $0x6000  }
0x166: {  	[sflag:s15] =	ssyncset.done $0x0  }
0x167: {  	s25 =	rddreg [dreg:$0x7];
	[sflag:s15] =	ssyncadd.s32 $0xFFFFA000  }
0x168: {  	[hbm4b:s25+s2] =	stream.linear.scatter [tilespmem:s6], [sflag:$0x8], $0x6000, $0x38;
	[tilespmem:$0x1A880] =	vst v63  }
0x169: {  	_ =	swait.ge [sflag:s11], $0x6000  }
0x16a: {  	[sflag:s11] =	ssyncset.done $0x0  }
0x16b: {  	[sflag:s11] =	ssyncadd.s32 $0xFFFFA000  }
0x16c: {  	[tilespmem:s10], [sflag:$0x3] =	stream.indirect.gather [hbm4b:s3+s13], $0x80, s31, s13, $0xb8;
	[tilespmem:$0x1A880] =	vst v63  }
0x16d: {  	_ =	swait.ge [sflag:s19], $0x6000  }
0x16e: {  	[sflag:s19] =	ssyncset.done $0x0  }
0x16f: {  	s1 =	rddreg [dreg:$0x8];
	[sflag:s19] =	ssyncadd.s32 $0xFFFFA000  }
0x170: {  	[hbm4b:s1+s2] =	stream.linear.scatter [tilespmem:s17], [sflag:$0x5], $0x6000, $0x38;
	[tilespmem:$0x1A880] =	vst v63  }
0x171: {  	_ =	swait.ge [sflag:s9], $0x6000  }
0x172: {  	[sflag:s9] =	ssyncset.done $0x0  }
0x173: {  	[sflag:s9] =	ssyncadd.s32 $0xFFFFA000  }
0x174: {  	[tilespmem:s6], [sflag:$0x4] =	stream.indirect.gather [hbm4b:s3+s13], $0x80, s30, s13, $0xb8;
	[tilespmem:$0x1A880] =	vst v63  }
0x175: {  	_ =	swait.ge [sflag:s18], $0x6000  }
0x176: {  	[sflag:s18] =	ssyncset.done $0x0  }
0x177: {  	s25 =	rddreg [dreg:$0x9];
	[sflag:s18] =	ssyncadd.s32 $0xFFFFA000  }
0x178: {  	[hbm4b:s25+s2] =	stream.linear.scatter [tilespmem:s12], [sflag:$0x6], $0x6000, $0x38;
	[tilespmem:$0x1A880] =	vst v63  }
0x179: {  	_ =	swait.ge [sflag:s7], $0x6000  }
0x17a: {  	[sflag:s7] =	ssyncset.done $0x0  }
0x17b: {  	[sflag:s7] =	ssyncadd.s32 $0xFFFFA000  }
0x17c: {  	[tilespmem:s17], [sflag:$0x1] =	stream.indirect.gather [hbm4b:s3+s13], $0x80, s29, s13, $0xb8;
	[tilespmem:$0x1A880] =	vst v63  }
0x17d: {  	_ =	swait.ge [sflag:s16], $0x6000  }
0x17e: {  	[sflag:s16] =	ssyncset.done $0x0  }
0x17f: {  	s29 =	rddreg [dreg:$0xa];
	[sflag:s16] =	ssyncadd.s32 $0xFFFFA000  }
0x180: {  	[hbm4b:s29+s2] =	stream.linear.scatter [tilespmem:s10], [sflag:$0x7], $0x6000, $0x38;
	[tilespmem:$0x1A880] =	vst v63  }
0x181: {  	_ =	swait.ge [sflag:s8], $0x6000  }
0x182: {  	[sflag:s8] =	ssyncset.done $0x0  }
0x183: {  	[sflag:s8] =	ssyncadd.s32 $0xFFFFA000  }
0x184: {  	[tilespmem:s12], [sflag:$0x2] =	stream.indirect.gather [hbm4b:s3+s13], $0x80, s28, s13, $0xb8;
	[tilespmem:$0x1A880] =	vst v63  }
0x185: {  	_ =	swait.ge [sflag:s15], $0x6000  }
0x186: {  	[sflag:s15] =	ssyncset.done $0x0  }
0x187: {  	s30 =	rddreg [dreg:$0xb];
	[sflag:s15] =	ssyncadd.s32 $0xFFFFA000  }
0x188: {  	[hbm4b:s30+s2] =	stream.linear.scatter [tilespmem:s6], [sflag:$0x8], $0x6000, $0x38;
	[tilespmem:$0x1A880] =	vst v63  }
0x189: {  	_ =	swait.ge [sflag:s11], $0x6000  }
0x18a: {  	[sflag:s11] =	ssyncset.done $0x0  }
0x18b: {  	[sflag:s11] =	ssyncadd.s32 $0xFFFFA000  }
0x18c: {  	[tilespmem:s10], [sflag:$0x3] =	stream.indirect.gather [hbm4b:s3+s13], $0x80, s26, s13, $0xb8;
	[tilespmem:$0x1A880] =	vst v63  }
0x18d: {  	_ =	swait.ge [sflag:s19], $0x6000  }
0x18e: {  	[sflag:s19] =	ssyncset.done $0x0  }
0x18f: {  	s31 =	rddreg [dreg:$0xc];
	[sflag:s19] =	ssyncadd.s32 $0xFFFFA000  }
0x190: {  	[hbm4b:s31+s2] =	stream.linear.scatter [tilespmem:s17], [sflag:$0x5], $0x6000, $0x38;
	[tilespmem:$0x1A880] =	vst v63  }
0x191: {  	_ =	swait.ge [sflag:s9], $0x6000  }
0x192: {  	[sflag:s9] =	ssyncset.done $0x0  }
0x193: {  	[sflag:s9] =	ssyncadd.s32 $0xFFFFA000  }
0x194: {  	[tilespmem:s6], [sflag:$0x4] =	stream.indirect.gather [hbm4b:s3+s13], $0x80, s24, s13, $0xb8;
	[tilespmem:$0x1A880] =	vst v63  }
0x195: {  	_ =	swait.ge [sflag:s18], $0x6000  }
0x196: {  	[sflag:s18] =	ssyncset.done $0x0  }
0x197: {  	s1 =	rddreg [dreg:$0xd];
	[sflag:s18] =	ssyncadd.s32 $0xFFFFA000  }
0x198: {  	[hbm4b:s1+s2] =	stream.linear.scatter [tilespmem:s12], [sflag:$0x6], $0x6000, $0x38;
	[tilespmem:$0x1A880] =	vst v63  }
0x199: {  	_ =	swait.ge [sflag:s7], $0x6000  }
0x19a: {  	[sflag:s7] =	ssyncset.done $0x0  }
0x19b: {  	[sflag:s7] =	ssyncadd.s32 $0xFFFFA000  }
0x19c: {  	[tilespmem:s17], [sflag:$0x1] =	stream.indirect.gather [hbm4b:s3+s13], $0x80, s23, s13, $0xb8;
	[tilespmem:$0x1A880] =	vst v63  }
0x19d: {  	_ =	swait.ge [sflag:s16], $0x6000  }
0x19e: {  	[sflag:s16] =	ssyncset.done $0x0  }
0x19f: {  	s23 =	rddreg [dreg:$0xe];
	[sflag:s16] =	ssyncadd.s32 $0xFFFFA000  }
0x1a0: {  	[hbm4b:s23+s2] =	stream.linear.scatter [tilespmem:s10], [sflag:$0x7], $0x6000, $0x38;
	[tilespmem:$0x1A880] =	vst v63  }
0x1a1: {  	_ =	swait.ge [sflag:s8], $0x6000  }
0x1a2: {  	[sflag:s8] =	ssyncset.done $0x0  }
0x1a3: {  	[sflag:s8] =	ssyncadd.s32 $0xFFFFA000  }
0x1a4: {  	[tilespmem:s12], [sflag:$0x2] =	stream.indirect.gather [hbm4b:s3+s13], $0x80, s22, s13, $0xb8;
	[tilespmem:$0x1A880] =	vst v63  }
0x1a5: {  	_ =	swait.ge [sflag:s15], $0x6000  }
0x1a6: {  	[sflag:s15] =	ssyncset.done $0x0  }
0x1a7: {  	s24 =	rddreg [dreg:$0xf];
	[sflag:s15] =	ssyncadd.s32 $0xFFFFA000  }
0x1a8: {  	[hbm4b:s24+s2] =	stream.linear.scatter [tilespmem:s6], [sflag:$0x8], $0x6000, $0x38;
	[tilespmem:$0x1A880] =	vst v63  }
0x1a9: {  	_ =	swait.ge [sflag:s11], $0x6000  }
0x1aa: {  	[sflag:s11] =	ssyncset.done $0x0  }
0x1ab: {  	[sflag:s11] =	ssyncadd.s32 $0xFFFFA000  }
0x1ac: {  	[tilespmem:s10], [sflag:$0x3] =	stream.indirect.gather [hbm4b:s3+s13], $0x80, s21, s13, $0xb8;
	[tilespmem:$0x1A880] =	vst v63  }
0x1ad: {  	_ =	swait.ge [sflag:s19], $0x6000  }
0x1ae: {  	[sflag:s19] =	ssyncset.done $0x0  }
0x1af: {  	s25 =	rddreg [dreg:$0x10];
	[sflag:s19] =	ssyncadd.s32 $0xFFFFA000  }
0x1b0: {  	[hbm4b:s25+s2] =	stream.linear.scatter [tilespmem:s17], [sflag:$0x5], $0x6000, $0x38;
	[tilespmem:$0x1A880] =	vst v63  }
0x1b1: {  	_ =	swait.ge [sflag:s9], $0x6000  }
0x1b2: {  	[sflag:s9] =	ssyncset.done $0x0  }
0x1b3: {  	s26 =	simm.s32 $0xB40;
	[sflag:s9] =	ssyncadd.s32 $0xFFFFA000  }
0x1b4: {  	[tilespmem:s6], [sflag:$0x4] =	stream.indirect.gather [hbm4b:s3+s13], $0x80, s26, s13, $0xb8;
	[tilespmem:$0x1A880] =	vst v63  }
0x1b5: {  	_ =	swait.ge [sflag:s18], $0x6000  }
0x1b6: {  	[sflag:s18] =	ssyncset.done $0x0  }
0x1b7: {  	s28 =	rddreg [dreg:$0x11];
	[sflag:s18] =	ssyncadd.s32 $0xFFFFA000  }
0x1b8: {  	[hbm4b:s28+s2] =	stream.linear.scatter [tilespmem:s12], [sflag:$0x6], $0x6000, $0x38;
	[tilespmem:$0x1A880] =	vst v63  }
0x1b9: {  	_ =	swait.ge [sflag:s16], $0x6000  }
0x1ba: {  	[sflag:s16] =	ssyncset.done $0x0  }
0x1bb: {  	s29 =	rddreg [dreg:$0x12];
	[sflag:s16] =	ssyncadd.s32 $0xFFFFA000  }
0x1bc: {  	[hbm4b:s29+s2] =	stream.linear.scatter [tilespmem:s10], [sflag:$0x7], $0x6000, $0x38;
	[tilespmem:$0x1A880] =	vst v63  }
0x1bd: {  	_ =	swait.ge [sflag:s15], $0x6000  }
0x1be: {  	[sflag:s15] =	ssyncset.done $0x0  }
0x1bf: {  	s30 =	rddreg [dreg:$0x13];
	[sflag:s15] =	ssyncadd.s32 $0xFFFFA000  }
0x1c0: {  	[hbm4b:s30+s2] =	stream.linear.scatter [tilespmem:s6], [sflag:$0x8], $0x6000, $0x38;
	[tilespmem:$0x1A880] =	vst v63  }
0x1c1: {  	_ =	swait.ge [sflag:s7], $0x6000  }
0x1c2: {  	[sflag:s7] =	ssyncset.done $0x0  }
0x1c3: {  	[sflag:s7] =	ssyncadd.s32 $0xFFFFA000  }
0x1c4: {  	_ =	swait.ge [sflag:s8], $0x6000  }
0x1c5: {  	[sflag:s8] =	ssyncset.done $0x0  }
0x1c6: {  	[sflag:s8] =	ssyncadd.s32 $0xFFFFA000  }
0x1c7: {  	_ =	swait.ge [sflag:s11], $0x6000  }
0x1c8: {  	[sflag:s11] =	ssyncset.done $0x0  }
0x1c9: {  	[sflag:s11] =	ssyncadd.s32 $0xFFFFA000  }
0x1ca: {  	_ =	swait.ge [sflag:s9], $0x6000  }
0x1cb: {  	[sflag:s9] =	ssyncset.done $0x0  }
0x1cc: {  	[sflag:s9] =	ssyncadd.s32 $0xFFFFA000  }
0x1cd: {  	_ =	swait.ge [sflag:s14], $0x1C00  }
0x1ce: {  	[sflag:s14] =	ssyncset.done $0x0  }
0x1cf: {  	s31 =	rddreg [dreg:$0x14];
	[sflag:s14] =	ssyncadd.s32 $0xFFFFE400  }
0x1d0: {  	[hbm4b:s31+s2] =	stream.linear.scatter [tilespmem:s5], [sflag:$0xA], $0x1C00, $0x38;
	[tilespmem:$0x1A880] =	vst v63  }
0x1d1: {  	_ =	swait.ge [sflag:s4], $0x1C00  }
0x1d2: {  	[sflag:s4] =	ssyncset.done $0x0  }
0x1d3: {  	[sflag:s4] =	ssyncadd.s32 $0xFFFFE400  }
0x1d4: {  	_ =	sfence.sel $0x180000  }
0x1d5: {  	[bflag:$0x0] =	sbarrier.arrive $0xFFFF  }
0x1d6: {  	_ =	strace $0x90000047  }
0x1d7: {  	[bflag:$0x2] =	sbarrier.arrive $0xFFFF  }
0x1d8: {  	p0 =	sne.s32 s20, $0x0;
	s0 =	rddreg [dreg:$0x3]  }
0x1d9: {  	s0 =	sadd.s32 @!p0 $0x100000, s0  }
0x1da: {  	[sflag:s0] =	ssyncadd.tile.s32 @!p0 $0x1;
	_ =	shalt  }
.LBB2_2:
.Ltmp3:
0x1db: {  	(pc) =	sbr.rel .LBB2_5-.Ltmp3, $2  }
0x1dc: {  	_ =	sdelay $0x2  }
0x1dd: {  	s20 =	stileid.u32  }
.Lfunc_end2:
_tile_overlayer_lowered:
.L_overlay_start_2:
0x1de: {  	(tag) =	ssettag $0x2  }
0x1df: {  	s0 =	rddreg [dreg:$0x0];
	s2 =	stileid.u32  }
0x1e0: {  	s1 =	rddreg [dreg:$0x1];
	p0 =	sne.s32 s2, $0x0  }
0x1e1: {  	s3 =	rddreg [dreg:$0x2];
	[bflag:$0x3] =	sbarrier.arrive $0xFFFF;
	s2 =	simm.s32 @!p0 $0x1C0A  }
0x1e2: {  	[timem:s3], [sflag:s2] =	dma.local @!p0 [hbm:s0], s1  }
0x1e3: {  	s0 =	simm.s32 @!p0 $0xA  }
0x1e4: {  	_ =	swait.ge @!p0 [sflag:s0], s1  }
0x1e5: {  	s1 =	ssub.s32 @!p0 $0x0, s1;
	[sflag:s0] =	ssyncset.done @!p0 $0x0  }
0x1e6: {  	[sflag:s0] =	ssyncadd.s32 @!p0 s1  }
0x1e7: {  	[bflag:$0x3] =	sbarrier.arrive $0xFFFF  }
0x1e8: {  	_ =	shalt  }

</sc_bundles>
